<compile_context>
chip_gen: v7x
topology: tpu7x:2x2x1
jax: 0.10.2.dev20260603
libtpu: 0.0.44.dev20260713+nightly
codegen_flags: <defaults>
</compile_context>

<pallas_src>
import functools

import jax
import jax.numpy as jnp
from jax import lax
from jax.experimental import pallas as pl
from jax.experimental.pallas import tpu as pltpu
from jax.experimental.pallas import tpu_sc as plsc

NC = 2
NS = 16
NW = NC * NS

LANES = 16


@functools.lru_cache(maxsize=None)
def _build(BL: int, V: int, SEG: int, D: int):
    assert D == 2 * LANES
    rows_pw = BL // NW
    assert rows_pw * NW == BL
    seg_per_chunk = 8
    chunk = seg_per_chunk * SEG
    assert rows_pw % chunk == 0
    n_chunks = rows_pw // chunk
    n_pairs = n_chunks // 2
    assert n_pairs * 2 == n_chunks and n_pairs >= 2

    mesh = plsc.VectorSubcoreMesh(core_axis_name="c", subcore_axis_name="s")

    @functools.partial(
        pl.kernel,
        out_type=jax.ShapeDtypeStruct((BL, D), jnp.float32),
        mesh=mesh,
        compiler_params=pltpu.CompilerParams(
            use_tc_tiling_on_sc=False, needs_layout_passes=False),
        scratch_types=[
            pltpu.VMEM((chunk,), jnp.int32),
            pltpu.VMEM((chunk,), jnp.int32),
            pltpu.VMEM((chunk, D), jnp.float32),
            pltpu.VMEM((chunk, D), jnp.float32),
            pltpu.VMEM((SEG, D), jnp.float32),
            pltpu.SemaphoreType.DMA,
            pltpu.SemaphoreType.DMA,
            pltpu.SemaphoreType.DMA,
            pltpu.SemaphoreType.DMA,
        ],
    )
    def k(ids_hbm, tok_hbm, pos_hbm, out_hbm,
          idx0, idx1, rows0, rows1, pos_v, gsem0, gsem1, wsem0, wsem1):
        wid = lax.axis_index("s") * NC + lax.axis_index("c")
        base = wid * rows_pw
        pltpu.sync_copy(pos_hbm, pos_v)

        def fire_chunk(g, idx_v, rows_v, gsem):
            start = base + g * chunk
            pltpu.sync_copy(ids_hbm.at[pl.ds(start, chunk)], idx_v)
            pltpu.make_async_copy(tok_hbm.at[idx_v], rows_v, gsem).start()

        def wait_gathers(rows_v, gsem):
            pltpu.make_async_copy(
                tok_hbm.at[pl.ds(0, chunk)], rows_v, gsem).wait()

        def add_pos(rows_v):
            def body(r, c):
                p0 = pos_v[r, 0:LANES]
                p1 = pos_v[r, LANES:D]
                for s in range(seg_per_chunk):
                    row = s * SEG + r
                    rows_v[row, 0:LANES] = rows_v[row, 0:LANES] + p0
                    rows_v[row, LANES:D] = rows_v[row, LANES:D] + p1
                return c
            lax.fori_loop(0, SEG, body, 0)

        def wb_start(g, rows_v, wsem):
            start = base + g * chunk
            pltpu.make_async_copy(
                rows_v, out_hbm.at[pl.ds(start, chunk)], wsem).start()

        def wb_wait(rows_v, wsem):
            pltpu.make_async_copy(
                rows_v, out_hbm.at[pl.ds(base, chunk)], wsem).wait()

        fire_chunk(0, idx0, rows0, gsem0)

        def pair(g2, c):
            ge = 2 * g2

            @pl.when(g2 > 0)
            def _():
                wb_wait(rows1, wsem1)
            fire_chunk(ge + 1, idx1, rows1, gsem1)

            wait_gathers(rows0, gsem0)
            add_pos(rows0)
            wb_start(ge, rows0, wsem0)

            @pl.when(g2 < n_pairs - 1)
            def _():
                wb_wait(rows0, wsem0)
                fire_chunk(ge + 2, idx0, rows0, gsem0)

            wait_gathers(rows1, gsem1)
            add_pos(rows1)
            wb_start(ge + 1, rows1, wsem1)
            return c

        lax.fori_loop(0, n_pairs, pair, 0)
        wb_wait(rows0, wsem0)
        wb_wait(rows1, wsem1)

    return k


def kernel(input_ids, token_emb, pos_emb):
    Bv, Lv = input_ids.shape
    V, D = token_emb.shape
    BL = Bv * Lv
    ids_flat = input_ids.reshape(BL).astype(jnp.int32)
    pos = pos_emb[:Lv]
    out = _build(BL, V, Lv, D)(ids_flat, token_emb, pos)
    return out.reshape(Bv, Lv, D)

# --- scband reference (transcript-rebuilt; emitter-appended) ---
"""Pipeline reference for scband-token-positional-embedding-43619687858846 (READ-ONLY COPY).

The authoritative reference and input builder live on the scoring server;
editing this copy changes nothing except your own understanding.
"""

import jax, jax.numpy as jnp
import numpy as np

VOCAB_SIZE = 100000
MAX_LEN = 200
D_MODEL = 32
B = 4096
L = 200


def setup_inputs(seed: int = 0) -> dict:
    key = jax.random.key(seed)
    k1, k2, k3 = jax.random.split(key, 3)
    input_ids = jax.random.randint(k1, (B, L), 0, VOCAB_SIZE, dtype=jnp.int64 if jax.config.jax_enable_x64 else jnp.int32)
    token_emb = jax.random.normal(k2, (VOCAB_SIZE, D_MODEL), dtype=jnp.float32) * 0.02
    pos_emb = jax.random.normal(k3, (MAX_LEN, D_MODEL), dtype=jnp.float32) * 0.02
    return {"input_ids": input_ids, "token_emb": token_emb, "pos_emb": pos_emb}


def reference(input_ids, token_emb, pos_emb):
    Bv, Lv = input_ids.shape
    pos = jnp.arange(Lv)
    token_embeddings = jnp.take(token_emb, input_ids, axis=0)  # [B, L, d_model]
    pos_embeddings = jnp.take(pos_emb, pos, axis=0)            # [L, d_model]
    pos_embeddings = jnp.broadcast_to(pos_embeddings[None, :, :], (Bv, Lv, pos_embeddings.shape[-1]))
    return token_embeddings + pos_embeddings

if __name__ == "__main__":
    import jax
    _d = setup_inputs()
    print(jax.jit(kernel)(*tuple(_d.values())))

</pallas_src>

<mosaic_0001>
#map = affine_map<(d0, d1) -> (0)>
#map1 = affine_map<(d0, d1) -> (0, 0)>
module attributes {stable_mosaic.version = 14 : i64} {
  func.func @k(%arg0: i32, %arg1: i32, %arg2: memref<819200xi32, #tpu.memory_space<hbm>>, %arg3: memref<100000x32xf32, #tpu.memory_space<hbm>>, %arg4: memref<200x32xf32, #tpu.memory_space<hbm>>, %arg5: memref<819200x32xf32, #tpu.memory_space<hbm>>, %arg6: memref<1600xi32, #tpu.memory_space<vmem>>, %arg7: memref<1600xi32, #tpu.memory_space<vmem>>, %arg8: memref<1600x32xf32, #tpu.memory_space<vmem>>, %arg9: memref<1600x32xf32, #tpu.memory_space<vmem>>, %arg10: memref<200x32xf32, #tpu.memory_space<vmem>>, %arg11: memref<!tpu.dma_semaphore, #tpu.memory_space<semaphore_mem>>, %arg12: memref<!tpu.dma_semaphore, #tpu.memory_space<semaphore_mem>>, %arg13: memref<!tpu.dma_semaphore, #tpu.memory_space<semaphore_mem>>, %arg14: memref<!tpu.dma_semaphore, #tpu.memory_space<semaphore_mem>>) attributes {dimension_semantics = [#tpu.dimension_semantics<core_parallel>, #tpu.dimension_semantics<subcore_parallel>], iteration_bounds = array<i64: 2, 16>, scalar_prefetch = 0 : i64, scratch_operands = 9 : i64, tpu.core_type = #tpu.core_type<sc_vector_subcore>, window_params = [{transform_indices = #map}, {transform_indices = #map1}, {transform_indices = #map1}, {transform_indices = #map1}]} {
    %mul3A = arith.constant 2 : i32
    %mul3A_0 = arith.muli %arg1, %mul3A : i32
    %add3A = arith.addi %mul3A_0, %arg0 : i32
    %mul3A_1 = arith.constant 25600 : i32
    %mul3A_2 = arith.muli %add3A, %mul3A_1 : i32
    "tpu.region"() ({
      %run_scoped3A = tpu.sem_alloc : memref<!tpu.dma_semaphore, #tpu.memory_space<semaphore_mem>>
      tpu.enqueue_dma source(%arg4 : memref<200x32xf32, #tpu.memory_space<hbm>>) target(%arg10 : memref<200x32xf32, #tpu.memory_space<vmem>>) target_semaphore(%run_scoped3A : memref<!tpu.dma_semaphore, #tpu.memory_space<semaphore_mem>>)
      tpu.wait_dma2 semaphore(%run_scoped3A : memref<!tpu.dma_semaphore, #tpu.memory_space<semaphore_mem>>) src(%arg4 : memref<200x32xf32, #tpu.memory_space<hbm>>) dst(%arg10 : memref<200x32xf32, #tpu.memory_space<vmem>>)
      tpu.yield
    }) : () -> ()
    %add3A_3 = arith.constant 0 : i32
    %add3A_4 = arith.addi %mul3A_2, %add3A_3 : i32
    "tpu.region"() ({
      %run_scoped3A = tpu.sem_alloc : memref<!tpu.dma_semaphore, #tpu.memory_space<semaphore_mem>>
      %dma_start3A_19 = tpu.memref_slice %arg2[%add3A_4] : memref<819200xi32, #tpu.memory_space<hbm>> -> memref<1600xi32, #tpu.memory_space<hbm>>
      %dma_start3A_20 = tpu.memref_slice %arg2[%add3A_4] : memref<819200xi32, #tpu.memory_space<hbm>> -> memref<1600xi32, #tpu.memory_space<hbm>>
      tpu.enqueue_dma source(%dma_start3A_20 : memref<1600xi32, #tpu.memory_space<hbm>>) target(%arg6 : memref<1600xi32, #tpu.memory_space<vmem>>) target_semaphore(%run_scoped3A : memref<!tpu.dma_semaphore, #tpu.memory_space<semaphore_mem>>)
      %dma_wait3A_21 = tpu.memref_slice %arg2[%add3A_4] : memref<819200xi32, #tpu.memory_space<hbm>> -> memref<1600xi32, #tpu.memory_space<hbm>>
      %dma_wait3A_22 = tpu.memref_slice %arg2[%add3A_4] : memref<819200xi32, #tpu.memory_space<hbm>> -> memref<1600xi32, #tpu.memory_space<hbm>>
      tpu.wait_dma2 semaphore(%run_scoped3A : memref<!tpu.dma_semaphore, #tpu.memory_space<semaphore_mem>>) src(%dma_wait3A_22 : memref<1600xi32, #tpu.memory_space<hbm>>) dst(%arg6 : memref<1600xi32, #tpu.memory_space<vmem>>)
      tpu.yield
    }) : () -> ()
    %dma_start3A = arith.constant 0 : i32
    %dma_start3A_5 = arith.constant 0 : i32
    %dma_start3A_6 = tpu.memref_slice %arg3[%dma_start3A, %dma_start3A_5] : memref<100000x32xf32, #tpu.memory_space<hbm>> -> memref<100000x32xf32, #tpu.memory_space<hbm>>
    tpu.enqueue_indirect_dma source(%dma_start3A_6 : memref<100000x32xf32, #tpu.memory_space<hbm>>) target(%arg8 : memref<1600x32xf32, #tpu.memory_space<vmem>>) offsets(%arg6 : memref<1600xi32, #tpu.memory_space<vmem>>) semaphore(%arg11 : memref<!tpu.dma_semaphore, #tpu.memory_space<semaphore_mem>>)
    %scan3A = arith.constant 0 : i32
    %scan3A_7 = arith.constant 0 : i32
    %scan3A_8 = arith.constant 8 : i32
    %scan3A_9 = arith.addi %scan3A_7, %scan3A_8 : i32
    %scan3A_10 = arith.constant 1 : i32
    scf.for %scan3A_19 = %scan3A_7 to %scan3A_9 step %scan3A_10  : i32 {
      %mul3A_20 = arith.constant 2 : i32
      %mul3A_21 = arith.muli %mul3A_20, %scan3A_19 : i32
      %gt3A = arith.constant 0 : i32
      %gt3A_22 = arith.cmpi sgt, %scan3A_19, %gt3A : i32
      %convert_element_type3A = arith.extui %gt3A_22 : i1 to i32
      %cond3A = arith.constant 0 : i32
      %cond3A_23 = arith.cmpi ne, %convert_element_type3A, %cond3A : i32
      scf.if %cond3A_23 {
        %dma_wait3A_76 = arith.constant 0 : i32
        %dma_wait3A_77 = tpu.memref_slice %arg5[%mul3A_2, %dma_wait3A_76] : memref<819200x32xf32, #tpu.memory_space<hbm>> -> memref<1600x32xf32, #tpu.memory_space<hbm>>
        %dma_wait3A_78 = arith.constant 0 : i32
        %dma_wait3A_79 = tpu.memref_slice %arg5[%mul3A_2, %dma_wait3A_78] : memref<819200x32xf32, #tpu.memory_space<hbm>> -> memref<1600x32xf32, #tpu.memory_space<hbm>>
        tpu.wait_dma2 semaphore(%arg14 : memref<!tpu.dma_semaphore, #tpu.memory_space<semaphore_mem>>) src(%arg9 : memref<1600x32xf32, #tpu.memory_space<vmem>>) dst(%dma_wait3A_79 : memref<1600x32xf32, #tpu.memory_space<hbm>>)
      } else {
      }
      %add3A_24 = arith.constant 1 : i32
      %add3A_25 = arith.addi %mul3A_21, %add3A_24 : i32
      %mul3A_26 = arith.constant 1600 : i32
      %mul3A_27 = arith.muli %add3A_25, %mul3A_26 : i32
      %add3A_28 = arith.addi %mul3A_2, %mul3A_27 : i32
      "tpu.region"() ({
        %run_scoped3A = tpu.sem_alloc : memref<!tpu.dma_semaphore, #tpu.memory_space<semaphore_mem>>
        %dma_start3A_76 = tpu.memref_slice %arg2[%add3A_28] : memref<819200xi32, #tpu.memory_space<hbm>> -> memref<1600xi32, #tpu.memory_space<hbm>>
        %dma_start3A_77 = tpu.memref_slice %arg2[%add3A_28] : memref<819200xi32, #tpu.memory_space<hbm>> -> memref<1600xi32, #tpu.memory_space<hbm>>
        tpu.enqueue_dma source(%dma_start3A_77 : memref<1600xi32, #tpu.memory_space<hbm>>) target(%arg7 : memref<1600xi32, #tpu.memory_space<vmem>>) target_semaphore(%run_scoped3A : memref<!tpu.dma_semaphore, #tpu.memory_space<semaphore_mem>>)
        %dma_wait3A_78 = tpu.memref_slice %arg2[%add3A_28] : memref<819200xi32, #tpu.memory_space<hbm>> -> memref<1600xi32, #tpu.memory_space<hbm>>
        %dma_wait3A_79 = tpu.memref_slice %arg2[%add3A_28] : memref<819200xi32, #tpu.memory_space<hbm>> -> memref<1600xi32, #tpu.memory_space<hbm>>
        tpu.wait_dma2 semaphore(%run_scoped3A : memref<!tpu.dma_semaphore, #tpu.memory_space<semaphore_mem>>) src(%dma_wait3A_79 : memref<1600xi32, #tpu.memory_space<hbm>>) dst(%arg7 : memref<1600xi32, #tpu.memory_space<vmem>>)
        tpu.yield
      }) : () -> ()
      %dma_start3A_29 = arith.constant 0 : i32
      %dma_start3A_30 = arith.constant 0 : i32
      %dma_start3A_31 = tpu.memref_slice %arg3[%dma_start3A_29, %dma_start3A_30] : memref<100000x32xf32, #tpu.memory_space<hbm>> -> memref<100000x32xf32, #tpu.memory_space<hbm>>
      tpu.enqueue_indirect_dma source(%dma_start3A_31 : memref<100000x32xf32, #tpu.memory_space<hbm>>) target(%arg9 : memref<1600x32xf32, #tpu.memory_space<vmem>>) offsets(%arg7 : memref<1600xi32, #tpu.memory_space<vmem>>) semaphore(%arg12 : memref<!tpu.dma_semaphore, #tpu.memory_space<semaphore_mem>>)
      %dma_wait3A_32 = arith.constant 0 : i32
      %dma_wait3A_33 = arith.constant 0 : i32
      %dma_wait3A_34 = tpu.memref_slice %arg3[%dma_wait3A_32, %dma_wait3A_33] : memref<100000x32xf32, #tpu.memory_space<hbm>> -> memref<1600x32xf32, #tpu.memory_space<hbm>>
      %dma_wait3A_35 = arith.constant 0 : i32
      %dma_wait3A_36 = arith.constant 0 : i32
      %dma_wait3A_37 = tpu.memref_slice %arg3[%dma_wait3A_35, %dma_wait3A_36] : memref<100000x32xf32, #tpu.memory_space<hbm>> -> memref<1600x32xf32, #tpu.memory_space<hbm>>
      tpu.wait_dma2 semaphore(%arg11 : memref<!tpu.dma_semaphore, #tpu.memory_space<semaphore_mem>>) src(%dma_wait3A_37 : memref<1600x32xf32, #tpu.memory_space<hbm>>) dst(%arg8 : memref<1600x32xf32, #tpu.memory_space<vmem>>)
      %scan3A_38 = arith.constant 0 : i32
      %scan3A_39 = arith.constant 0 : i32
      %scan3A_40 = arith.constant 200 : i32
      %scan3A_41 = arith.addi %scan3A_39, %scan3A_40 : i32
      %scan3A_42 = arith.constant 1 : i32
      scf.for %scan3A_76 = %scan3A_39 to %scan3A_41 step %scan3A_42  : i32 {
        %get3A = arith.index_cast %scan3A_76 : i32 to index
        %get3A_77 = arith.constant 0 : index
        %get3A_78 = tpu.vector_load %arg10[%get3A, %get3A_77] {strides = array<i32>} : memref<200x32xf32, #tpu.memory_space<vmem>>, vector<16xf32>,
        %get3A_79 = arith.index_cast %scan3A_76 : i32 to index
        %get3A_80 = arith.constant 16 : index
        %get3A_81 = tpu.vector_load %arg10[%get3A_79, %get3A_80] {strides = array<i32>} : memref<200x32xf32, #tpu.memory_space<vmem>>, vector<16xf32>,
        %add3A_82 = arith.constant 0 : i32
        %add3A_83 = arith.addi %add3A_82, %scan3A_76 : i32
        %get3A_84 = arith.index_cast %add3A_83 : i32 to index
        %get3A_85 = arith.constant 0 : index
        %get3A_86 = tpu.vector_load %arg8[%get3A_84, %get3A_85] {strides = array<i32>} : memref<1600x32xf32, #tpu.memory_space<vmem>>, vector<16xf32>,
        %add3A_87 = arith.addf %get3A_86, %get3A_78 : vector<16xf32>
        %swap3A = arith.index_cast %add3A_83 : i32 to index
        %swap3A_88 = arith.constant 0 : index
        %swap3A_89 = tpu.vector_load %arg8[%swap3A, %swap3A_88] {strides = array<i32>} : memref<1600x32xf32, #tpu.memory_space<vmem>>, vector<16xf32>,
        tpu.vector_store %arg8[%swap3A, %swap3A_88], %add3A_87 {strides = array<i32>} : memref<1600x32xf32, #tpu.memory_space<vmem>>, vector<16xf32>,
        %get3A_90 = arith.index_cast %add3A_83 : i32 to index
        %get3A_91 = arith.constant 16 : index
        %get3A_92 = tpu.vector_load %arg8[%get3A_90, %get3A_91] {strides = array<i32>} : memref<1600x32xf32, #tpu.memory_space<vmem>>, vector<16xf32>,
        %add3A_93 = arith.addf %get3A_92, %get3A_81 : vector<16xf32>
        %swap3A_94 = arith.index_cast %add3A_83 : i32 to index
        %swap3A_95 = arith.constant 16 : index
        %swap3A_96 = tpu.vector_load %arg8[%swap3A_94, %swap3A_95] {strides = array<i32>} : memref<1600x32xf32, #tpu.memory_space<vmem>>, vector<16xf32>,
        tpu.vector_store %arg8[%swap3A_94, %swap3A_95], %add3A_93 {strides = array<i32>} : memref<1600x32xf32, #tpu.memory_space<vmem>>, vector<16xf32>,
        %add3A_97 = arith.constant 200 : i32
        %add3A_98 = arith.addi %add3A_97, %scan3A_76 : i32
        %get3A_99 = arith.index_cast %add3A_98 : i32 to index
        %get3A_100 = arith.constant 0 : index
        %get3A_101 = tpu.vector_load %arg8[%get3A_99, %get3A_100] {strides = array<i32>} : memref<1600x32xf32, #tpu.memory_space<vmem>>, vector<16xf32>,
        %add3A_102 = arith.addf %get3A_101, %get3A_78 : vector<16xf32>
        %swap3A_103 = arith.index_cast %add3A_98 : i32 to index
        %swap3A_104 = arith.constant 0 : index
        %swap3A_105 = tpu.vector_load %arg8[%swap3A_103, %swap3A_104] {strides = array<i32>} : memref<1600x32xf32, #tpu.memory_space<vmem>>, vector<16xf32>,
        tpu.vector_store %arg8[%swap3A_103, %swap3A_104], %add3A_102 {strides = array<i32>} : memref<1600x32xf32, #tpu.memory_space<vmem>>, vector<16xf32>,
        %get3A_106 = arith.index_cast %add3A_98 : i32 to index
        %get3A_107 = arith.constant 16 : index
        %get3A_108 = tpu.vector_load %arg8[%get3A_106, %get3A_107] {strides = array<i32>} : memref<1600x32xf32, #tpu.memory_space<vmem>>, vector<16xf32>,
        %add3A_109 = arith.addf %get3A_108, %get3A_81 : vector<16xf32>
        %swap3A_110 = arith.index_cast %add3A_98 : i32 to index
        %swap3A_111 = arith.constant 16 : index
        %swap3A_112 = tpu.vector_load %arg8[%swap3A_110, %swap3A_111] {strides = array<i32>} : memref<1600x32xf32, #tpu.memory_space<vmem>>, vector<16xf32>,
        tpu.vector_store %arg8[%swap3A_110, %swap3A_111], %add3A_109 {strides = array<i32>} : memref<1600x32xf32, #tpu.memory_space<vmem>>, vector<16xf32>,
        %add3A_113 = arith.constant 400 : i32
        %add3A_114 = arith.addi %add3A_113, %scan3A_76 : i32
        %get3A_115 = arith.index_cast %add3A_114 : i32 to index
        %get3A_116 = arith.constant 0 : index
        %get3A_117 = tpu.vector_load %arg8[%get3A_115, %get3A_116] {strides = array<i32>} : memref<1600x32xf32, #tpu.memory_space<vmem>>, vector<16xf32>,
        %add3A_118 = arith.addf %get3A_117, %get3A_78 : vector<16xf32>
        %swap3A_119 = arith.index_cast %add3A_114 : i32 to index
        %swap3A_120 = arith.constant 0 : index
        %swap3A_121 = tpu.vector_load %arg8[%swap3A_119, %swap3A_120] {strides = array<i32>} : memref<1600x32xf32, #tpu.memory_space<vmem>>, vector<16xf32>,
        tpu.vector_store %arg8[%swap3A_119, %swap3A_120], %add3A_118 {strides = array<i32>} : memref<1600x32xf32, #tpu.memory_space<vmem>>, vector<16xf32>,
        %get3A_122 = arith.index_cast %add3A_114 : i32 to index
        %get3A_123 = arith.constant 16 : index
        %get3A_124 = tpu.vector_load %arg8[%get3A_122, %get3A_123] {strides = array<i32>} : memref<1600x32xf32, #tpu.memory_space<vmem>>, vector<16xf32>,
        %add3A_125 = arith.addf %get3A_124, %get3A_81 : vector<16xf32>
        %swap3A_126 = arith.index_cast %add3A_114 : i32 to index
        %swap3A_127 = arith.constant 16 : index
        %swap3A_128 = tpu.vector_load %arg8[%swap3A_126, %swap3A_127] {strides = array<i32>} : memref<1600x32xf32, #tpu.memory_space<vmem>>, vector<16xf32>,
        tpu.vector_store %arg8[%swap3A_126, %swap3A_127], %add3A_125 {strides = array<i32>} : memref<1600x32xf32, #tpu.memory_space<vmem>>, vector<16xf32>,
        %add3A_129 = arith.constant 600 : i32
        %add3A_130 = arith.addi %add3A_129, %scan3A_76 : i32
        %get3A_131 = arith.index_cast %add3A_130 : i32 to index
        %get3A_132 = arith.constant 0 : index
        %get3A_133 = tpu.vector_load %arg8[%get3A_131, %get3A_132] {strides = array<i32>} : memref<1600x32xf32, #tpu.memory_space<vmem>>, vector<16xf32>,
        %add3A_134 = arith.addf %get3A_133, %get3A_78 : vector<16xf32>
        %swap3A_135 = arith.index_cast %add3A_130 : i32 to index
        %swap3A_136 = arith.constant 0 : index
        %swap3A_137 = tpu.vector_load %arg8[%swap3A_135, %swap3A_136] {strides = array<i32>} : memref<1600x32xf32, #tpu.memory_space<vmem>>, vector<16xf32>,
        tpu.vector_store %arg8[%swap3A_135, %swap3A_136], %add3A_134 {strides = array<i32>} : memref<1600x32xf32, #tpu.memory_space<vmem>>, vector<16xf32>,
        %get3A_138 = arith.index_cast %add3A_130 : i32 to index
        %get3A_139 = arith.constant 16 : index
        %get3A_140 = tpu.vector_load %arg8[%get3A_138, %get3A_139] {strides = array<i32>} : memref<1600x32xf32, #tpu.memory_space<vmem>>, vector<16xf32>,
        %add3A_141 = arith.addf %get3A_140, %get3A_81 : vector<16xf32>
        %swap3A_142 = arith.index_cast %add3A_130 : i32 to index
        %swap3A_143 = arith.constant 16 : index
        %swap3A_144 = tpu.vector_load %arg8[%swap3A_142, %swap3A_143] {strides = array<i32>} : memref<1600x32xf32, #tpu.memory_space<vmem>>, vector<16xf32>,
        tpu.vector_store %arg8[%swap3A_142, %swap3A_143], %add3A_141 {strides = array<i32>} : memref<1600x32xf32, #tpu.memory_space<vmem>>, vector<16xf32>,
        %add3A_145 = arith.constant 800 : i32
        %add3A_146 = arith.addi %add3A_145, %scan3A_76 : i32
        %get3A_147 = arith.index_cast %add3A_146 : i32 to index
        %get3A_148 = arith.constant 0 : index
        %get3A_149 = tpu.vector_load %arg8[%get3A_147, %get3A_148] {strides = array<i32>} : memref<1600x32xf32, #tpu.memory_space<vmem>>, vector<16xf32>,
        %add3A_150 = arith.addf %get3A_149, %get3A_78 : vector<16xf32>
        %swap3A_151 = arith.index_cast %add3A_146 : i32 to index
        %swap3A_152 = arith.constant 0 : index
        %swap3A_153 = tpu.vector_load %arg8[%swap3A_151, %swap3A_152] {strides = array<i32>} : memref<1600x32xf32, #tpu.memory_space<vmem>>, vector<16xf32>,
        tpu.vector_store %arg8[%swap3A_151, %swap3A_152], %add3A_150 {strides = array<i32>} : memref<1600x32xf32, #tpu.memory_space<vmem>>, vector<16xf32>,
        %get3A_154 = arith.index_cast %add3A_146 : i32 to index
        %get3A_155 = arith.constant 16 : index
        %get3A_156 = tpu.vector_load %arg8[%get3A_154, %get3A_155] {strides = array<i32>} : memref<1600x32xf32, #tpu.memory_space<vmem>>, vector<16xf32>,
        %add3A_157 = arith.addf %get3A_156, %get3A_81 : vector<16xf32>
        %swap3A_158 = arith.index_cast %add3A_146 : i32 to index
        %swap3A_159 = arith.constant 16 : index
        %swap3A_160 = tpu.vector_load %arg8[%swap3A_158, %swap3A_159] {strides = array<i32>} : memref<1600x32xf32, #tpu.memory_space<vmem>>, vector<16xf32>,
        tpu.vector_store %arg8[%swap3A_158, %swap3A_159], %add3A_157 {strides = array<i32>} : memref<1600x32xf32, #tpu.memory_space<vmem>>, vector<16xf32>,
        %add3A_161 = arith.constant 1000 : i32
        %add3A_162 = arith.addi %add3A_161, %scan3A_76 : i32
        %get3A_163 = arith.index_cast %add3A_162 : i32 to index
        %get3A_164 = arith.constant 0 : index
        %get3A_165 = tpu.vector_load %arg8[%get3A_163, %get3A_164] {strides = array<i32>} : memref<1600x32xf32, #tpu.memory_space<vmem>>, vector<16xf32>,
        %add3A_166 = arith.addf %get3A_165, %get3A_78 : vector<16xf32>
        %swap3A_167 = arith.index_cast %add3A_162 : i32 to index
        %swap3A_168 = arith.constant 0 : index
        %swap3A_169 = tpu.vector_load %arg8[%swap3A_167, %swap3A_168] {strides = array<i32>} : memref<1600x32xf32, #tpu.memory_space<vmem>>, vector<16xf32>,
        tpu.vector_store %arg8[%swap3A_167, %swap3A_168], %add3A_166 {strides = array<i32>} : memref<1600x32xf32, #tpu.memory_space<vmem>>, vector<16xf32>,
        %get3A_170 = arith.index_cast %add3A_162 : i32 to index
        %get3A_171 = arith.constant 16 : index
        %get3A_172 = tpu.vector_load %arg8[%get3A_170, %get3A_171] {strides = array<i32>} : memref<1600x32xf32, #tpu.memory_space<vmem>>, vector<16xf32>,
        %add3A_173 = arith.addf %get3A_172, %get3A_81 : vector<16xf32>
        %swap3A_174 = arith.index_cast %add3A_162 : i32 to index
        %swap3A_175 = arith.constant 16 : index
        %swap3A_176 = tpu.vector_load %arg8[%swap3A_174, %swap3A_175] {strides = array<i32>} : memref<1600x32xf32, #tpu.memory_space<vmem>>, vector<16xf32>,
        tpu.vector_store %arg8[%swap3A_174, %swap3A_175], %add3A_173 {strides = array<i32>} : memref<1600x32xf32, #tpu.memory_space<vmem>>, vector<16xf32>,
        %add3A_177 = arith.constant 1200 : i32
        %add3A_178 = arith.addi %add3A_177, %scan3A_76 : i32
        %get3A_179 = arith.index_cast %add3A_178 : i32 to index
        %get3A_180 = arith.constant 0 : index
        %get3A_181 = tpu.vector_load %arg8[%get3A_179, %get3A_180] {strides = array<i32>} : memref<1600x32xf32, #tpu.memory_space<vmem>>, vector<16xf32>,
        %add3A_182 = arith.addf %get3A_181, %get3A_78 : vector<16xf32>
        %swap3A_183 = arith.index_cast %add3A_178 : i32 to index
        %swap3A_184 = arith.constant 0 : index
        %swap3A_185 = tpu.vector_load %arg8[%swap3A_183, %swap3A_184] {strides = array<i32>} : memref<1600x32xf32, #tpu.memory_space<vmem>>, vector<16xf32>,
        tpu.vector_store %arg8[%swap3A_183, %swap3A_184], %add3A_182 {strides = array<i32>} : memref<1600x32xf32, #tpu.memory_space<vmem>>, vector<16xf32>,
        %get3A_186 = arith.index_cast %add3A_178 : i32 to index
        %get3A_187 = arith.constant 16 : index
        %get3A_188 = tpu.vector_load %arg8[%get3A_186, %get3A_187] {strides = array<i32>} : memref<1600x32xf32, #tpu.memory_space<vmem>>, vector<16xf32>,
        %add3A_189 = arith.addf %get3A_188, %get3A_81 : vector<16xf32>
        %swap3A_190 = arith.index_cast %add3A_178 : i32 to index
        %swap3A_191 = arith.constant 16 : index
        %swap3A_192 = tpu.vector_load %arg8[%swap3A_190, %swap3A_191] {strides = array<i32>} : memref<1600x32xf32, #tpu.memory_space<vmem>>, vector<16xf32>,
        tpu.vector_store %arg8[%swap3A_190, %swap3A_191], %add3A_189 {strides = array<i32>} : memref<1600x32xf32, #tpu.memory_space<vmem>>, vector<16xf32>,
        %add3A_193 = arith.constant 1400 : i32
        %add3A_194 = arith.addi %add3A_193, %scan3A_76 : i32
        %get3A_195 = arith.index_cast %add3A_194 : i32 to index
        %get3A_196 = arith.constant 0 : index
        %get3A_197 = tpu.vector_load %arg8[%get3A_195, %get3A_196] {strides = array<i32>} : memref<1600x32xf32, #tpu.memory_space<vmem>>, vector<16xf32>,
        %add3A_198 = arith.addf %get3A_197, %get3A_78 : vector<16xf32>
        %swap3A_199 = arith.index_cast %add3A_194 : i32 to index
        %swap3A_200 = arith.constant 0 : index
        %swap3A_201 = tpu.vector_load %arg8[%swap3A_199, %swap3A_200] {strides = array<i32>} : memref<1600x32xf32, #tpu.memory_space<vmem>>, vector<16xf32>,
        tpu.vector_store %arg8[%swap3A_199, %swap3A_200], %add3A_198 {strides = array<i32>} : memref<1600x32xf32, #tpu.memory_space<vmem>>, vector<16xf32>,
        %get3A_202 = arith.index_cast %add3A_194 : i32 to index
        %get3A_203 = arith.constant 16 : index
        %get3A_204 = tpu.vector_load %arg8[%get3A_202, %get3A_203] {strides = array<i32>} : memref<1600x32xf32, #tpu.memory_space<vmem>>, vector<16xf32>,
        %add3A_205 = arith.addf %get3A_204, %get3A_81 : vector<16xf32>
        %swap3A_206 = arith.index_cast %add3A_194 : i32 to index
        %swap3A_207 = arith.constant 16 : index
        %swap3A_208 = tpu.vector_load %arg8[%swap3A_206, %swap3A_207] {strides = array<i32>} : memref<1600x32xf32, #tpu.memory_space<vmem>>, vector<16xf32>,
        tpu.vector_store %arg8[%swap3A_206, %swap3A_207], %add3A_205 {strides = array<i32>} : memref<1600x32xf32, #tpu.memory_space<vmem>>, vector<16xf32>,
      }
      %scan3A_43 = arith.constant 200 : i32
      %mul3A_44 = arith.constant 1600 : i32
      %mul3A_45 = arith.muli %mul3A_21, %mul3A_44 : i32
      %add3A_46 = arith.addi %mul3A_2, %mul3A_45 : i32
      %dma_start3A_47 = arith.constant 0 : i32
      %dma_start3A_48 = tpu.memref_slice %arg5[%add3A_46, %dma_start3A_47] : memref<819200x32xf32, #tpu.memory_space<hbm>> -> memref<1600x32xf32, #tpu.memory_space<hbm>>
      %dma_start3A_49 = arith.constant 0 : i32
      %dma_start3A_50 = tpu.memref_slice %arg5[%add3A_46, %dma_start3A_49] : memref<819200x32xf32, #tpu.memory_space<hbm>> -> memref<1600x32xf32, #tpu.memory_space<hbm>>
      tpu.enqueue_dma source(%arg8 : memref<1600x32xf32, #tpu.memory_space<vmem>>) target(%dma_start3A_50 : memref<1600x32xf32, #tpu.memory_space<hbm>>) target_semaphore(%arg13 : memref<!tpu.dma_semaphore, #tpu.memory_space<semaphore_mem>>)
      %lt3A = arith.constant 7 : i32
      %lt3A_51 = arith.cmpi slt, %scan3A_19, %lt3A : i32
      %convert_element_type3A_52 = arith.extui %lt3A_51 : i1 to i32
      %cond3A_53 = arith.constant 0 : i32
      %cond3A_54 = arith.cmpi ne, %convert_element_type3A_52, %cond3A_53 : i32
      scf.if %cond3A_54 {
        %dma_wait3A_76 = arith.constant 0 : i32
        %dma_wait3A_77 = tpu.memref_slice %arg5[%mul3A_2, %dma_wait3A_76] : memref<819200x32xf32, #tpu.memory_space<hbm>> -> memref<1600x32xf32, #tpu.memory_space<hbm>>
        %dma_wait3A_78 = arith.constant 0 : i32
        %dma_wait3A_79 = tpu.memref_slice %arg5[%mul3A_2, %dma_wait3A_78] : memref<819200x32xf32, #tpu.memory_space<hbm>> -> memref<1600x32xf32, #tpu.memory_space<hbm>>
        tpu.wait_dma2 semaphore(%arg13 : memref<!tpu.dma_semaphore, #tpu.memory_space<semaphore_mem>>) src(%arg8 : memref<1600x32xf32, #tpu.memory_space<vmem>>) dst(%dma_wait3A_79 : memref<1600x32xf32, #tpu.memory_space<hbm>>)
        %add3A_80 = arith.constant 2 : i32
        %add3A_81 = arith.addi %mul3A_21, %add3A_80 : i32
        %mul3A_82 = arith.constant 1600 : i32
        %mul3A_83 = arith.muli %add3A_81, %mul3A_82 : i32
        %add3A_84 = arith.addi %mul3A_2, %mul3A_83 : i32
        "tpu.region"() ({
          %run_scoped3A = tpu.sem_alloc : memref<!tpu.dma_semaphore, #tpu.memory_space<semaphore_mem>>
          %dma_start3A_88 = tpu.memref_slice %arg2[%add3A_84] : memref<819200xi32, #tpu.memory_space<hbm>> -> memref<1600xi32, #tpu.memory_space<hbm>>
          %dma_start3A_89 = tpu.memref_slice %arg2[%add3A_84] : memref<819200xi32, #tpu.memory_space<hbm>> -> memref<1600xi32, #tpu.memory_space<hbm>>
          tpu.enqueue_dma source(%dma_start3A_89 : memref<1600xi32, #tpu.memory_space<hbm>>) target(%arg6 : memref<1600xi32, #tpu.memory_space<vmem>>) target_semaphore(%run_scoped3A : memref<!tpu.dma_semaphore, #tpu.memory_space<semaphore_mem>>)
          %dma_wait3A_90 = tpu.memref_slice %arg2[%add3A_84] : memref<819200xi32, #tpu.memory_space<hbm>> -> memref<1600xi32, #tpu.memory_space<hbm>>
          %dma_wait3A_91 = tpu.memref_slice %arg2[%add3A_84] : memref<819200xi32, #tpu.memory_space<hbm>> -> memref<1600xi32, #tpu.memory_space<hbm>>
          tpu.wait_dma2 semaphore(%run_scoped3A : memref<!tpu.dma_semaphore, #tpu.memory_space<semaphore_mem>>) src(%dma_wait3A_91 : memref<1600xi32, #tpu.memory_space<hbm>>) dst(%arg6 : memref<1600xi32, #tpu.memory_space<vmem>>)
          tpu.yield
        }) : () -> ()
        %dma_start3A_85 = arith.constant 0 : i32
        %dma_start3A_86 = arith.constant 0 : i32
        %dma_start3A_87 = tpu.memref_slice %arg3[%dma_start3A_85, %dma_start3A_86] : memref<100000x32xf32, #tpu.memory_space<hbm>> -> memref<100000x32xf32, #tpu.memory_space<hbm>>
        tpu.enqueue_indirect_dma source(%dma_start3A_87 : memref<100000x32xf32, #tpu.memory_space<hbm>>) target(%arg8 : memref<1600x32xf32, #tpu.memory_space<vmem>>) offsets(%arg6 : memref<1600xi32, #tpu.memory_space<vmem>>) semaphore(%arg11 : memref<!tpu.dma_semaphore, #tpu.memory_space<semaphore_mem>>)
      } else {
      }
      %dma_wait3A_55 = arith.constant 0 : i32
      %dma_wait3A_56 = arith.constant 0 : i32
      %dma_wait3A_57 = tpu.memref_slice %arg3[%dma_wait3A_55, %dma_wait3A_56] : memref<100000x32xf32, #tpu.memory_space<hbm>> -> memref<1600x32xf32, #tpu.memory_space<hbm>>
      %dma_wait3A_58 = arith.constant 0 : i32
      %dma_wait3A_59 = arith.constant 0 : i32
      %dma_wait3A_60 = tpu.memref_slice %arg3[%dma_wait3A_58, %dma_wait3A_59] : memref<100000x32xf32, #tpu.memory_space<hbm>> -> memref<1600x32xf32, #tpu.memory_space<hbm>>
      tpu.wait_dma2 semaphore(%arg12 : memref<!tpu.dma_semaphore, #tpu.memory_space<semaphore_mem>>) src(%dma_wait3A_60 : memref<1600x32xf32, #tpu.memory_space<hbm>>) dst(%arg9 : memref<1600x32xf32, #tpu.memory_space<vmem>>)
      %scan3A_61 = arith.constant 0 : i32
      %scan3A_62 = arith.constant 0 : i32
      %scan3A_63 = arith.constant 200 : i32
      %scan3A_64 = arith.addi %scan3A_62, %scan3A_63 : i32
      %scan3A_65 = arith.constant 1 : i32
      scf.for %scan3A_76 = %scan3A_62 to %scan3A_64 step %scan3A_65  : i32 {
        %get3A = arith.index_cast %scan3A_76 : i32 to index
        %get3A_77 = arith.constant 0 : index
        %get3A_78 = tpu.vector_load %arg10[%get3A, %get3A_77] {strides = array<i32>} : memref<200x32xf32, #tpu.memory_space<vmem>>, vector<16xf32>,
        %get3A_79 = arith.index_cast %scan3A_76 : i32 to index
        %get3A_80 = arith.constant 16 : index
        %get3A_81 = tpu.vector_load %arg10[%get3A_79, %get3A_80] {strides = array<i32>} : memref<200x32xf32, #tpu.memory_space<vmem>>, vector<16xf32>,
        %add3A_82 = arith.constant 0 : i32
        %add3A_83 = arith.addi %add3A_82, %scan3A_76 : i32
        %get3A_84 = arith.index_cast %add3A_83 : i32 to index
        %get3A_85 = arith.constant 0 : index
        %get3A_86 = tpu.vector_load %arg9[%get3A_84, %get3A_85] {strides = array<i32>} : memref<1600x32xf32, #tpu.memory_space<vmem>>, vector<16xf32>,
        %add3A_87 = arith.addf %get3A_86, %get3A_78 : vector<16xf32>
        %swap3A = arith.index_cast %add3A_83 : i32 to index
        %swap3A_88 = arith.constant 0 : index
        %swap3A_89 = tpu.vector_load %arg9[%swap3A, %swap3A_88] {strides = array<i32>} : memref<1600x32xf32, #tpu.memory_space<vmem>>, vector<16xf32>,
        tpu.vector_store %arg9[%swap3A, %swap3A_88], %add3A_87 {strides = array<i32>} : memref<1600x32xf32, #tpu.memory_space<vmem>>, vector<16xf32>,
        %get3A_90 = arith.index_cast %add3A_83 : i32 to index
        %get3A_91 = arith.constant 16 : index
        %get3A_92 = tpu.vector_load %arg9[%get3A_90, %get3A_91] {strides = array<i32>} : memref<1600x32xf32, #tpu.memory_space<vmem>>, vector<16xf32>,
        %add3A_93 = arith.addf %get3A_92, %get3A_81 : vector<16xf32>
        %swap3A_94 = arith.index_cast %add3A_83 : i32 to index
        %swap3A_95 = arith.constant 16 : index
        %swap3A_96 = tpu.vector_load %arg9[%swap3A_94, %swap3A_95] {strides = array<i32>} : memref<1600x32xf32, #tpu.memory_space<vmem>>, vector<16xf32>,
        tpu.vector_store %arg9[%swap3A_94, %swap3A_95], %add3A_93 {strides = array<i32>} : memref<1600x32xf32, #tpu.memory_space<vmem>>, vector<16xf32>,
        %add3A_97 = arith.constant 200 : i32
        %add3A_98 = arith.addi %add3A_97, %scan3A_76 : i32
        %get3A_99 = arith.index_cast %add3A_98 : i32 to index
        %get3A_100 = arith.constant 0 : index
        %get3A_101 = tpu.vector_load %arg9[%get3A_99, %get3A_100] {strides = array<i32>} : memref<1600x32xf32, #tpu.memory_space<vmem>>, vector<16xf32>,
        %add3A_102 = arith.addf %get3A_101, %get3A_78 : vector<16xf32>
        %swap3A_103 = arith.index_cast %add3A_98 : i32 to index
        %swap3A_104 = arith.constant 0 : index
        %swap3A_105 = tpu.vector_load %arg9[%swap3A_103, %swap3A_104] {strides = array<i32>} : memref<1600x32xf32, #tpu.memory_space<vmem>>, vector<16xf32>,
        tpu.vector_store %arg9[%swap3A_103, %swap3A_104], %add3A_102 {strides = array<i32>} : memref<1600x32xf32, #tpu.memory_space<vmem>>, vector<16xf32>,
        %get3A_106 = arith.index_cast %add3A_98 : i32 to index
        %get3A_107 = arith.constant 16 : index
        %get3A_108 = tpu.vector_load %arg9[%get3A_106, %get3A_107] {strides = array<i32>} : memref<1600x32xf32, #tpu.memory_space<vmem>>, vector<16xf32>,
        %add3A_109 = arith.addf %get3A_108, %get3A_81 : vector<16xf32>
        %swap3A_110 = arith.index_cast %add3A_98 : i32 to index
        %swap3A_111 = arith.constant 16 : index
        %swap3A_112 = tpu.vector_load %arg9[%swap3A_110, %swap3A_111] {strides = array<i32>} : memref<1600x32xf32, #tpu.memory_space<vmem>>, vector<16xf32>,
        tpu.vector_store %arg9[%swap3A_110, %swap3A_111], %add3A_109 {strides = array<i32>} : memref<1600x32xf32, #tpu.memory_space<vmem>>, vector<16xf32>,
        %add3A_113 = arith.constant 400 : i32
        %add3A_114 = arith.addi %add3A_113, %scan3A_76 : i32
        %get3A_115 = arith.index_cast %add3A_114 : i32 to index
        %get3A_116 = arith.constant 0 : index
        %get3A_117 = tpu.vector_load %arg9[%get3A_115, %get3A_116] {strides = array<i32>} : memref<1600x32xf32, #tpu.memory_space<vmem>>, vector<16xf32>,
        %add3A_118 = arith.addf %get3A_117, %get3A_78 : vector<16xf32>
        %swap3A_119 = arith.index_cast %add3A_114 : i32 to index
        %swap3A_120 = arith.constant 0 : index
        %swap3A_121 = tpu.vector_load %arg9[%swap3A_119, %swap3A_120] {strides = array<i32>} : memref<1600x32xf32, #tpu.memory_space<vmem>>, vector<16xf32>,
        tpu.vector_store %arg9[%swap3A_119, %swap3A_120], %add3A_118 {strides = array<i32>} : memref<1600x32xf32, #tpu.memory_space<vmem>>, vector<16xf32>,
        %get3A_122 = arith.index_cast %add3A_114 : i32 to index
        %get3A_123 = arith.constant 16 : index
        %get3A_124 = tpu.vector_load %arg9[%get3A_122, %get3A_123] {strides = array<i32>} : memref<1600x32xf32, #tpu.memory_space<vmem>>, vector<16xf32>,
        %add3A_125 = arith.addf %get3A_124, %get3A_81 : vector<16xf32>
        %swap3A_126 = arith.index_cast %add3A_114 : i32 to index
        %swap3A_127 = arith.constant 16 : index
        %swap3A_128 = tpu.vector_load %arg9[%swap3A_126, %swap3A_127] {strides = array<i32>} : memref<1600x32xf32, #tpu.memory_space<vmem>>, vector<16xf32>,
        tpu.vector_store %arg9[%swap3A_126, %swap3A_127], %add3A_125 {strides = array<i32>} : memref<1600x32xf32, #tpu.memory_space<vmem>>, vector<16xf32>,
        %add3A_129 = arith.constant 600 : i32
        %add3A_130 = arith.addi %add3A_129, %scan3A_76 : i32
        %get3A_131 = arith.index_cast %add3A_130 : i32 to index
        %get3A_132 = arith.constant 0 : index
        %get3A_133 = tpu.vector_load %arg9[%get3A_131, %get3A_132] {strides = array<i32>} : memref<1600x32xf32, #tpu.memory_space<vmem>>, vector<16xf32>,
        %add3A_134 = arith.addf %get3A_133, %get3A_78 : vector<16xf32>
        %swap3A_135 = arith.index_cast %add3A_130 : i32 to index
        %swap3A_136 = arith.constant 0 : index
        %swap3A_137 = tpu.vector_load %arg9[%swap3A_135, %swap3A_136] {strides = array<i32>} : memref<1600x32xf32, #tpu.memory_space<vmem>>, vector<16xf32>,
        tpu.vector_store %arg9[%swap3A_135, %swap3A_136], %add3A_134 {strides = array<i32>} : memref<1600x32xf32, #tpu.memory_space<vmem>>, vector<16xf32>,
        %get3A_138 = arith.index_cast %add3A_130 : i32 to index
        %get3A_139 = arith.constant 16 : index
        %get3A_140 = tpu.vector_load %arg9[%get3A_138, %get3A_139] {strides = array<i32>} : memref<1600x32xf32, #tpu.memory_space<vmem>>, vector<16xf32>,
        %add3A_141 = arith.addf %get3A_140, %get3A_81 : vector<16xf32>
        %swap3A_142 = arith.index_cast %add3A_130 : i32 to index
        %swap3A_143 = arith.constant 16 : index
        %swap3A_144 = tpu.vector_load %arg9[%swap3A_142, %swap3A_143] {strides = array<i32>} : memref<1600x32xf32, #tpu.memory_space<vmem>>, vector<16xf32>,
        tpu.vector_store %arg9[%swap3A_142, %swap3A_143], %add3A_141 {strides = array<i32>} : memref<1600x32xf32, #tpu.memory_space<vmem>>, vector<16xf32>,
        %add3A_145 = arith.constant 800 : i32
        %add3A_146 = arith.addi %add3A_145, %scan3A_76 : i32
        %get3A_147 = arith.index_cast %add3A_146 : i32 to index
        %get3A_148 = arith.constant 0 : index
        %get3A_149 = tpu.vector_load %arg9[%get3A_147, %get3A_148] {strides = array<i32>} : memref<1600x32xf32, #tpu.memory_space<vmem>>, vector<16xf32>,
        %add3A_150 = arith.addf %get3A_149, %get3A_78 : vector<16xf32>
        %swap3A_151 = arith.index_cast %add3A_146 : i32 to index
        %swap3A_152 = arith.constant 0 : index
        %swap3A_153 = tpu.vector_load %arg9[%swap3A_151, %swap3A_152] {strides = array<i32>} : memref<1600x32xf32, #tpu.memory_space<vmem>>, vector<16xf32>,
        tpu.vector_store %arg9[%swap3A_151, %swap3A_152], %add3A_150 {strides = array<i32>} : memref<1600x32xf32, #tpu.memory_space<vmem>>, vector<16xf32>,
        %get3A_154 = arith.index_cast %add3A_146 : i32 to index
        %get3A_155 = arith.constant 16 : index
        %get3A_156 = tpu.vector_load %arg9[%get3A_154, %get3A_155] {strides = array<i32>} : memref<1600x32xf32, #tpu.memory_space<vmem>>, vector<16xf32>,
        %add3A_157 = arith.addf %get3A_156, %get3A_81 : vector<16xf32>
        %swap3A_158 = arith.index_cast %add3A_146 : i32 to index
        %swap3A_159 = arith.constant 16 : index
        %swap3A_160 = tpu.vector_load %arg9[%swap3A_158, %swap3A_159] {strides = array<i32>} : memref<1600x32xf32, #tpu.memory_space<vmem>>, vector<16xf32>,
        tpu.vector_store %arg9[%swap3A_158, %swap3A_159], %add3A_157 {strides = array<i32>} : memref<1600x32xf32, #tpu.memory_space<vmem>>, vector<16xf32>,
        %add3A_161 = arith.constant 1000 : i32
        %add3A_162 = arith.addi %add3A_161, %scan3A_76 : i32
        %get3A_163 = arith.index_cast %add3A_162 : i32 to index
        %get3A_164 = arith.constant 0 : index
        %get3A_165 = tpu.vector_load %arg9[%get3A_163, %get3A_164] {strides = array<i32>} : memref<1600x32xf32, #tpu.memory_space<vmem>>, vector<16xf32>,
        %add3A_166 = arith.addf %get3A_165, %get3A_78 : vector<16xf32>
        %swap3A_167 = arith.index_cast %add3A_162 : i32 to index
        %swap3A_168 = arith.constant 0 : index
        %swap3A_169 = tpu.vector_load %arg9[%swap3A_167, %swap3A_168] {strides = array<i32>} : memref<1600x32xf32, #tpu.memory_space<vmem>>, vector<16xf32>,
        tpu.vector_store %arg9[%swap3A_167, %swap3A_168], %add3A_166 {strides = array<i32>} : memref<1600x32xf32, #tpu.memory_space<vmem>>, vector<16xf32>,
        %get3A_170 = arith.index_cast %add3A_162 : i32 to index
        %get3A_171 = arith.constant 16 : index
        %get3A_172 = tpu.vector_load %arg9[%get3A_170, %get3A_171] {strides = array<i32>} : memref<1600x32xf32, #tpu.memory_space<vmem>>, vector<16xf32>,
        %add3A_173 = arith.addf %get3A_172, %get3A_81 : vector<16xf32>
        %swap3A_174 = arith.index_cast %add3A_162 : i32 to index
        %swap3A_175 = arith.constant 16 : index
        %swap3A_176 = tpu.vector_load %arg9[%swap3A_174, %swap3A_175] {strides = array<i32>} : memref<1600x32xf32, #tpu.memory_space<vmem>>, vector<16xf32>,
        tpu.vector_store %arg9[%swap3A_174, %swap3A_175], %add3A_173 {strides = array<i32>} : memref<1600x32xf32, #tpu.memory_space<vmem>>, vector<16xf32>,
        %add3A_177 = arith.constant 1200 : i32
        %add3A_178 = arith.addi %add3A_177, %scan3A_76 : i32
        %get3A_179 = arith.index_cast %add3A_178 : i32 to index
        %get3A_180 = arith.constant 0 : index
        %get3A_181 = tpu.vector_load %arg9[%get3A_179, %get3A_180] {strides = array<i32>} : memref<1600x32xf32, #tpu.memory_space<vmem>>, vector<16xf32>,
        %add3A_182 = arith.addf %get3A_181, %get3A_78 : vector<16xf32>
        %swap3A_183 = arith.index_cast %add3A_178 : i32 to index
        %swap3A_184 = arith.constant 0 : index
        %swap3A_185 = tpu.vector_load %arg9[%swap3A_183, %swap3A_184] {strides = array<i32>} : memref<1600x32xf32, #tpu.memory_space<vmem>>, vector<16xf32>,
        tpu.vector_store %arg9[%swap3A_183, %swap3A_184], %add3A_182 {strides = array<i32>} : memref<1600x32xf32, #tpu.memory_space<vmem>>, vector<16xf32>,
        %get3A_186 = arith.index_cast %add3A_178 : i32 to index
        %get3A_187 = arith.constant 16 : index
        %get3A_188 = tpu.vector_load %arg9[%get3A_186, %get3A_187] {strides = array<i32>} : memref<1600x32xf32, #tpu.memory_space<vmem>>, vector<16xf32>,
        %add3A_189 = arith.addf %get3A_188, %get3A_81 : vector<16xf32>
        %swap3A_190 = arith.index_cast %add3A_178 : i32 to index
        %swap3A_191 = arith.constant 16 : index
        %swap3A_192 = tpu.vector_load %arg9[%swap3A_190, %swap3A_191] {strides = array<i32>} : memref<1600x32xf32, #tpu.memory_space<vmem>>, vector<16xf32>,
        tpu.vector_store %arg9[%swap3A_190, %swap3A_191], %add3A_189 {strides = array<i32>} : memref<1600x32xf32, #tpu.memory_space<vmem>>, vector<16xf32>,
        %add3A_193 = arith.constant 1400 : i32
        %add3A_194 = arith.addi %add3A_193, %scan3A_76 : i32
        %get3A_195 = arith.index_cast %add3A_194 : i32 to index
        %get3A_196 = arith.constant 0 : index
        %get3A_197 = tpu.vector_load %arg9[%get3A_195, %get3A_196] {strides = array<i32>} : memref<1600x32xf32, #tpu.memory_space<vmem>>, vector<16xf32>,
        %add3A_198 = arith.addf %get3A_197, %get3A_78 : vector<16xf32>
        %swap3A_199 = arith.index_cast %add3A_194 : i32 to index
        %swap3A_200 = arith.constant 0 : index
        %swap3A_201 = tpu.vector_load %arg9[%swap3A_199, %swap3A_200] {strides = array<i32>} : memref<1600x32xf32, #tpu.memory_space<vmem>>, vector<16xf32>,
        tpu.vector_store %arg9[%swap3A_199, %swap3A_200], %add3A_198 {strides = array<i32>} : memref<1600x32xf32, #tpu.memory_space<vmem>>, vector<16xf32>,
        %get3A_202 = arith.index_cast %add3A_194 : i32 to index
        %get3A_203 = arith.constant 16 : index
        %get3A_204 = tpu.vector_load %arg9[%get3A_202, %get3A_203] {strides = array<i32>} : memref<1600x32xf32, #tpu.memory_space<vmem>>, vector<16xf32>,
        %add3A_205 = arith.addf %get3A_204, %get3A_81 : vector<16xf32>
        %swap3A_206 = arith.index_cast %add3A_194 : i32 to index
        %swap3A_207 = arith.constant 16 : index
        %swap3A_208 = tpu.vector_load %arg9[%swap3A_206, %swap3A_207] {strides = array<i32>} : memref<1600x32xf32, #tpu.memory_space<vmem>>, vector<16xf32>,
        tpu.vector_store %arg9[%swap3A_206, %swap3A_207], %add3A_205 {strides = array<i32>} : memref<1600x32xf32, #tpu.memory_space<vmem>>, vector<16xf32>,
      }
      %scan3A_66 = arith.constant 200 : i32
      %add3A_67 = arith.constant 1 : i32
      %add3A_68 = arith.addi %mul3A_21, %add3A_67 : i32
      %mul3A_69 = arith.constant 1600 : i32
      %mul3A_70 = arith.muli %add3A_68, %mul3A_69 : i32
      %add3A_71 = arith.addi %mul3A_2, %mul3A_70 : i32
      %dma_start3A_72 = arith.constant 0 : i32
      %dma_start3A_73 = tpu.memref_slice %arg5[%add3A_71, %dma_start3A_72] : memref<819200x32xf32, #tpu.memory_space<hbm>> -> memref<1600x32xf32, #tpu.memory_space<hbm>>
      %dma_start3A_74 = arith.constant 0 : i32
      %dma_start3A_75 = tpu.memref_slice %arg5[%add3A_71, %dma_start3A_74] : memref<819200x32xf32, #tpu.memory_space<hbm>> -> memref<1600x32xf32, #tpu.memory_space<hbm>>
      tpu.enqueue_dma source(%arg9 : memref<1600x32xf32, #tpu.memory_space<vmem>>) target(%dma_start3A_75 : memref<1600x32xf32, #tpu.memory_space<hbm>>) target_semaphore(%arg14 : memref<!tpu.dma_semaphore, #tpu.memory_space<semaphore_mem>>)
    }
    %scan3A_11 = arith.constant 8 : i32
    %dma_wait3A = arith.constant 0 : i32
    %dma_wait3A_12 = tpu.memref_slice %arg5[%mul3A_2, %dma_wait3A] : memref<819200x32xf32, #tpu.memory_space<hbm>> -> memref<1600x32xf32, #tpu.memory_space<hbm>>
    %dma_wait3A_13 = arith.constant 0 : i32
    %dma_wait3A_14 = tpu.memref_slice %arg5[%mul3A_2, %dma_wait3A_13] : memref<819200x32xf32, #tpu.memory_space<hbm>> -> memref<1600x32xf32, #tpu.memory_space<hbm>>
    tpu.wait_dma2 semaphore(%arg13 : memref<!tpu.dma_semaphore, #tpu.memory_space<semaphore_mem>>) src(%arg8 : memref<1600x32xf32, #tpu.memory_space<vmem>>) dst(%dma_wait3A_14 : memref<1600x32xf32, #tpu.memory_space<hbm>>)
    %dma_wait3A_15 = arith.constant 0 : i32
    %dma_wait3A_16 = tpu.memref_slice %arg5[%mul3A_2, %dma_wait3A_15] : memref<819200x32xf32, #tpu.memory_space<hbm>> -> memref<1600x32xf32, #tpu.memory_space<hbm>>
    %dma_wait3A_17 = arith.constant 0 : i32
    %dma_wait3A_18 = tpu.memref_slice %arg5[%mul3A_2, %dma_wait3A_17] : memref<819200x32xf32, #tpu.memory_space<hbm>> -> memref<1600x32xf32, #tpu.memory_space<hbm>>
    tpu.wait_dma2 semaphore(%arg14 : memref<!tpu.dma_semaphore, #tpu.memory_space<semaphore_mem>>) src(%arg9 : memref<1600x32xf32, #tpu.memory_space<vmem>>) dst(%dma_wait3A_18 : memref<1600x32xf32, #tpu.memory_space<hbm>>)
    return
  }
}

</mosaic_0001>

<sc_bundles>
// kernel: kernel.3.cloned.1.call-start
scs
__scs_entry_jumppad:
0x0: {  	(pc) =	sbr.rel $0x88, $3  }
0x1: {  	(tag) =	ssettag $0x0;
	lr =	simm.s32 $0x1  }
0x2: {  	[smem:$0x3F9E] =	sst lr;
	_ =	strace $0xD0000000  }
0x3: {  	_ = 	snop  }
0x4: {  	_ = 	snop  }
0x5: {  	_ = 	snop  }
0x6: {  	_ = 	snop  }
0x7: {  	_ = 	snop  }
__scs_overlays_trampoline_lowered:
0x8: {  	[smem:$0x3FAD] =	sst s0  }
0x9: {  	[smem:$0x3FAE] =	sst s1  }
0xa: {  	[smem:$0x3FAF] =	sst s2  }
0xb: {  	[smem:$0x3FB0] =	sst s3  }
0xc: {  	[smem:$0x3FB1] =	sst s4  }
0xd: {  	[smem:$0x3FB2] =	sst s5  }
0xe: {  	[smem:$0x3FB3] =	sst s6  }
0xf: {  	[smem:$0x3FB4] =	sst s7  }
0x10: {  	[smem:$0x3FB5] =	sst s8  }
0x11: {  	[smem:$0x3FB6] =	sst s9;
	s0 =	simm.s32 @!p0 $0x0  }
0x12: {  	s1 =	sld [smem:$0x3F9C];
	s0 =	simm.s32 @p0 $0x1  }
0x13: {  	[smem:$0x3FB7] =	sst s0;
	s0 =	simm.s32 @!p1 $0x0  }
0x14: {  	s2 =	sld [smem:$0x3F9B];
	s0 =	simm.s32 @p1 $0x1  }
0x15: {  	[smem:$0x3FB8] =	sst s0;
	s0 =	simm.s32 @!p2 $0x0  }
0x16: {  	s3 =	sld [smem:$0x3FDB];
	s0 =	simm.s32 @p2 $0x1  }
0x17: {  	s4 =	simm.s32 $0x1BF5;
	[smem:$0x3FBA] =	sst s0  }
0x18: {  	s0 =	sld [smem:$0x3F9D];
	_ =	swait.ge [sflag:s4], $0x0  }
0x19: {  	s7 =	sld [smem:$0x3F9E]  }
0x1a: {  	s8 =	sadd.s32 $0xFFFFE003, lr  }
0x1b: {  	s9 =	sadd.s32 $0xFFFFFEF7, lr;
	s5 =	simm.s32 $0xFFFFFFFF;
	p2 =	slt.u32 s8, $0xFFFFF086  }
0x1c: {  	p1 =	slt.u32 s9, $0xF7A;
	s5 =	simm.s32 @!p2 $0x0  }
0x1d: {  	s5 =	simm.s32 @p1 $0x1;
	p0 =	seq.s32 s7, s2  }
0x1e: {  	s7 =	smul.u32 @!p0 $0xF7A, s2;
	p2 =	seq.s32 @!p0 s5, $0x0  }
0x1f: {  	s9 =	smul.u32 $0xF7A, s1;
	s8 =	simm.s32 @!p0 $0x1BF5;
	p2 =	por !p2, p0  }
0x20: {  	[sflag:s8] =	ssyncset.s32 @!p0 $0xFFFFF086;
	s6 =	sadd.s32 @!p0 s3, s7;
	s7 =	simm.s32 @!p0 $0x108  }
0x21: {  	s3 =	sadd.s32 s3, s9;
	s6 =	sadd.s32 @!p0 $0x88, s6;
	s7 =	simm.s32 @p2 $0x1082  }
0x22: {  	[simem:s7], [sflag:s8] =	dma.local @!p0 [hbm:s6], $0xF7A  }
0x23: {  	s9 =	sor.u32 $0xD0000000, s2;
	s6 =	simm.s32 $0x108;
	_ =	swait.ge @!p0 [sflag:s8], $0x0  }
0x24: {  	s3 =	sadd.s32 $0x88, s3;
	s6 =	simm.s32 @!p1 $0x1082;
	[sflag:s4] =	ssyncset.s32 $0xFFFFF086  }
0x25: {  	[simem:s6], [sflag:s4] =	dma.local [hbm:s3], $0xF7A  }
0x26: {  	[smem:$0x3F9E] =	sst s1;
	(tag) =	ssettag s2;
	_ =	strace s9  }
0x27: {  	s1 =	sld [smem:$0x3FAE]  }
0x28: {  	s2 =	sld [smem:$0x3FAF]  }
0x29: {  	s4 =	sld [smem:$0x3FB1]  }
0x2a: {  	p0 =	seq.s32 s5, $0x0;
	s5 =	sld [smem:$0x3FB2]  }
0x2b: {  	s6 =	sld [smem:$0x3FB3]  }
0x2c: {  	s7 =	sld [smem:$0x3FB4]  }
0x2d: {  	s3 =	simm.s32 $0x108;
	s8 =	sld [smem:$0x3FB5]  }
0x2e: {  	s3 =	simm.s32 @!p0 $0x1082;
	s9 =	sld [smem:$0x3FB6]  }
0x2f: {  	lr =	sadd.s32 s0, s3;
	s0 =	sld [smem:$0x3FAD]  }
0x30: {  	s3 =	sld [smem:$0x3FB0]  }
0x31: {  	[smem:$0x3FB9] =	sst s10  }
0x32: {  	s10 =	sld [smem:$0x3FB7];
	_ =	sdelay $0x3  }
0x33: {  	p0 =	seq.s32 s10, $0x1;
	s10 =	sld [smem:$0x3FB9];
	_ =	sdelay $0x3  }
0x34: {  	[smem:$0x3FB9] =	sst s10  }
0x35: {  	s10 =	sld [smem:$0x3FB8];
	_ =	sdelay $0x3  }
0x36: {  	p1 =	seq.s32 s10, $0x1;
	s10 =	sld [smem:$0x3FB9];
	_ =	sdelay $0x3  }
0x37: {  	[smem:$0x3FB9] =	sst s10  }
0x38: {  	s10 =	sld [smem:$0x3FBA]  }
0x39: {  	_ = 	snop;
	(pc) =	sbr.ind lr, $3  }
0x3a: {  	_ = 	snop  }
0x3b: {  	_ = 	snop  }
0x3c: {  	p2 =	seq.s32 s10, $0x1;
	s10 =	sld [smem:$0x3FB9]  }
0x3d: {  	_ =	shalt  }
0x3e: {  	_ =	shalt  }
0x3f: {  	_ =	shalt  }
0x40: {  	_ =	shalt  }
0x41: {  	_ =	shalt  }
0x42: {  	_ =	shalt  }
0x43: {  	_ =	shalt  }
0x44: {  	_ =	shalt  }
0x45: {  	_ =	shalt  }
0x46: {  	_ =	shalt  }
0x47: {  	_ =	shalt  }
0x48: {  	_ =	shalt  }
0x49: {  	_ =	shalt  }
0x4a: {  	_ =	shalt  }
0x4b: {  	_ =	shalt  }
0x4c: {  	_ =	shalt  }
0x4d: {  	_ =	shalt  }
0x4e: {  	_ =	shalt  }
0x4f: {  	_ =	shalt  }
0x50: {  	_ =	shalt  }
0x51: {  	_ =	shalt  }
0x52: {  	_ =	shalt  }
0x53: {  	_ =	shalt  }
0x54: {  	_ =	shalt  }
0x55: {  	_ =	shalt  }
0x56: {  	_ =	shalt  }
0x57: {  	_ =	shalt  }
0x58: {  	_ =	shalt  }
0x59: {  	_ =	shalt  }
0x5a: {  	_ =	shalt  }
0x5b: {  	_ =	shalt  }
0x5c: {  	_ =	shalt  }
0x5d: {  	_ =	shalt  }
0x5e: {  	_ =	shalt  }
0x5f: {  	_ =	shalt  }
0x60: {  	_ =	shalt  }
0x61: {  	_ =	shalt  }
0x62: {  	_ =	shalt  }
0x63: {  	_ =	shalt  }
0x64: {  	_ =	shalt  }
0x65: {  	_ =	shalt  }
0x66: {  	_ =	shalt  }
0x67: {  	_ =	shalt  }
0x68: {  	_ =	shalt  }
0x69: {  	_ =	shalt  }
0x6a: {  	_ =	shalt  }
0x6b: {  	_ =	shalt  }
0x6c: {  	_ =	shalt  }
0x6d: {  	_ =	shalt  }
0x6e: {  	_ =	shalt  }
0x6f: {  	_ =	shalt  }
0x70: {  	_ =	shalt  }
0x71: {  	_ =	shalt  }
0x72: {  	_ =	shalt  }
0x73: {  	_ =	shalt  }
0x74: {  	_ =	shalt  }
0x75: {  	_ =	shalt  }
0x76: {  	_ =	shalt  }
0x77: {  	_ =	shalt  }
0x78: {  	_ =	shalt  }
0x79: {  	_ =	shalt  }
0x7a: {  	_ =	shalt  }
0x7b: {  	_ =	shalt  }
0x7c: {  	_ =	shalt  }
0x7d: {  	_ =	shalt  }
0x7e: {  	_ =	shalt  }
0x7f: {  	_ =	shalt  }
0x80: {  	_ =	shalt  }
0x81: {  	_ =	shalt  }
0x82: {  	_ =	shalt  }
0x83: {  	_ =	shalt  }
0x84: {  	_ =	shalt  }
0x85: {  	_ =	shalt  }
0x86: {  	_ =	shalt  }
0x87: {  	_ =	shalt  }
.Lfunc_end0:
.L_simem_size_0:
called_computation.1_lowered:
.L_overlay_start_0:
0x88: {  	s2 =	sld [smem:$0x3FD9]  }
0x89: {  	s3 =	sld [smem:$0x3FFE];
	_ =	sdelay $0x1  }
0x8a: {  	s1 =	srdreg.scid  }
0x8b: {  	s0 =	sand.u32 $0x1, s1  }
0x8c: {  	s17 =	sshll.u32 s0, $0xA;
	s2 =	sadd.s32 s3, s2  }
0x8d: {  	s2 =	sadd.s32 s2, s17  }
0x8e: {  	[smem:$0x3FC5] =	sst s2  }
0x8f: {  	_ = 	snop  }
0x90: {  	s2 =	sld [smem:$0x3FD0];
	(tm) =	ssettm $0x1  }
0x91: {  	s18 =	sld [smem:$0x3FFB];
	_ =	sdelay $0x3  }
0x92: {  	_ =	strace s18  }
0x93: {  	s3 =	sld [smem:$0x3FFC];
	_ =	sdelay $0x3  }
0x94: {  	_ =	strace s3  }
0x95: {  	s3 =	sld [smem:$0x3FFD];
	_ =	sdelay $0x3  }
0x96: {  	_ =	strace s3  }
0x97: {  	_ =	strace $0x8FFFFFFF  }
0x98: {  	s19 =	sld [smem:$0x3FDB];
	_ =	sdelay $0x1  }
0x99: {  	s4 =	simm.s32 $_scs_section_size  }
0x9a: {  	s5 =	simm.s32 $_size__tile_overlayer_lowered;
	s6 =	simm.s32 $_tile_overlayer_lowered  }
0x9b: {  	s22 =	simm.s32 $0x1BFF;
	s21 =	sshll.u32 s6, $0x1;
	s3 =	sadd.s32 s4, s19  }
0x9c: {  	s7 =	simm.s32 $0x0;
	s20 =	sshll.u32 s5, $0x1;
	s5 =	sadd.s32 s21, s3  }
0x9d: {  	[timem:s7], [sflag:s22] =	dma.local [hbm:s5], s20  }
0x9e: {  	_ =	swait.ge [sflag:s22], s20  }
0x9f: {  	s4 =	ssub.s32 $0x0, s20;
	[sflag:s22] =	ssyncset.done $0x0  }
0xa0: {  	[sflag:s22] =	ssyncadd.s32 s4;
	_ =	sdelay $0x1  }
0xa1: {  	s23 =	simm.s32 $0x1B8B  }
0xa2: {  	_ =	swait.ge [sflag:s23], $0x1  }
0xa3: {  	[sflag:s23] =	ssyncset.done $0x0  }
0xa4: {  	s25 =	simm.s32 $0x1B8E;
	s24 =	sld [smem:$0x3FFE];
	[sflag:s23] =	ssyncadd.s32 $0xFFFFFFFF  }
0xa5: {  	s26 =	simm.s32 $execute0_lowered;
	[smem:$0x3FD2] =	sst s25  }
0xa6: {  	s5 =	sshll.u32 s26, $0x1;
	_ =	strace $0x80000046;
	[dreg:$0x1] =	wrdreg $0xFFFFFFFF  }
0xa7: {  	s28 =	simm.s32 $_size_execute0_lowered;
	s3 =	sadd.s32 s3, s5;
	[dreg:$0x0] =	wrdreg $0x0  }
0xa8: {  	s5 =	sshll.u32 s28, $0x1;
	[dreg:$0x2] =	wrdreg s3  }
0xa9: {  	[dreg:$0x3] =	wrdreg s5  }
0xaa: {  	[dreg:$0x4] =	wrdreg $0xC0  }
0xab: {  	_ =	task [dreg:s7], $0x5FFFF  }
0xac: {  	[dreg:$0x1] =	wrdreg $0xFFFFFFFF  }
0xad: {  	[dreg:$0x0] =	wrdreg $0x60  }
0xae: {  	[dreg:$0x2] =	wrdreg s24  }
0xaf: {  	[dreg:$0x3] =	wrdreg s2  }
0xb0: {  	[dreg:$0x4] =	wrdreg $0x9  }
0xb1: {  	_ =	task.clear_ibuf [dreg:s7], $0x5FFFF;
	_ =	strace $0x90000046  }
0xb2: {  	s29 =	simm.s32 $0x9;
	_ =	strace $0x80000048  }
0xb3: {  	_ =	swait.ge [sflag:s29], $0x1  }
0xb4: {  	[sflag:s29] =	ssyncadd.s32 $0xFFFFFFFF  }
0xb5: {  	_ =	strace $0x90000048  }
0xb6: {  	_ =	sfence  }
0xb7: {  	s30 =	sld [smem:$0x0];
	_ =	sdelay $0x2  }
0xb8: {  	s31 =	sshll.u32 s1, $0xD;
	s1 =	sshrl.u32 s1, $0x2  }
0xb9: {  	s3 =	sand.u32 $0x4000, s31;
	s1 =	sadd.s32 s1, s30  }
0xba: {  	s0 =	sor.u32 s3, s0;
	s1 =	sshll.u32 s1, $0x11  }
0xbb: {  	s0 =	sor.u32 s1, s0  }
0xbc: {  	s0 =	sadd.s32 $0x8F2B, s0  }
0xbd: {  	[sflag:s0] =	ssyncadd.remote.s32 $0x1  }
0xbe: {  	_ =	sfence.sel $0xFFFF  }
0xbf: {  	[dreg:$0x0] =	wrdreg $0xFFFFFFFF;
	(pc) =	sbr.abs _section_cstart, $3  }
0xc0: {  	[dreg:$0x1] =	wrdreg $0xFFFFFFFF  }
0xc1: {  	_ =	task.clear_ibuf [dreg:s7], $0x2FFFF;
	_ =	strace $0x9FFFFFFF  }
0xc2: {  	(tm) =	ssettm $0x7FFFFFFF  }
0xc3: {  	_ =	shalt  }
tec
execute0_lowered:
.L_overlay_start_1:
0x0: {  	(tag) =	ssettag $0x1  }
0x1: {  	s7 =	rddreg [dreg:$0x0]  }
0x2: {  	s2 =	rddreg [dreg:$0x1]  }
0x3: {  	s0 =	rddreg [dreg:$0x2]  }
0x4: {  	s4 =	srdreg.scid;
	s1 =	stileid.u32;
	s3 =	simm.s32 $0x0  }
0x5: {  	s12 =	simm.s32 $0x19C80;
	s13 =	simm.s32 $0x5;
	s14 =	simm.s32 $0x640  }
0x6: {  	s15 =	simm.s32 $0xC80;
	s16 =	simm.s32 $0xD480;
	s17 =	simm.s32 $0x1  }
0x7: {  	s18 =	simm.s32 $0x2;
	s19 =	simm.s32 $0x3;
	s20 =	simm.s32 $0x4  }
0x8: {  	s21 =	simm.s32 $0x0;
	s8 =	sand.u32 $0x1, s4;
	s31 =	sshll.u32 s1, $0x1  }
0x9: {  	[smem:$0x7FF] =	sst s3;
	s5 =	sadd.s32 $0xE00, s7;
	s4 =	sor.u32 s8, s31  }
0xa: {  	s6 =	sadd.s32 $0x19E00, s7;
	s8 =	ssub.s32 $0x2, s8;
	s4 =	smul.u32 $0x6400, s4  }
0xb: {  	s7 =	sadd.s32 $0xA00, s7;
	_ =	strace $0x80000047;
	s9 =	sshrl.u32 s8, $0x1  }
0xc: {  	s11 =	ssub.s32 s8, s9;
	s10 =	sshrl.u32 s4, $0x3;
	s9 =	sadd.s32 $0x640, s4  }
0xd: {  	s11 =	smax.u32 s11, $0x1;
	s8 =	sadd.s32 s5, s10;
	s10 =	sadd.s32 $0xC80, s4  }
.LBB2_1:
0xe: {  	[tilespmem:s12], [sflag:$0x5] =	stream.linear.gather [hbm4b:s7+s3], $0x1900, $0x38;
	[tilespmem:$0x1B580] =	vst v63  }
0xf: {  	_ =	swait.ge [sflag:s13], $0x1900  }
0x10: {  	[sflag:s13] =	ssyncset.done $0x0  }
0x11: {  	[sflag:s13] =	ssyncadd.s32 $0xFFFFE700  }
0x12: {  	[tilespmem:s3], [sflag:$0x5] =	stream.linear.gather [hbm4b:s8+s3], $0x640, $0x38;
	[tilespmem:$0x1B580] =	vst v63  }
0x13: {  	_ =	swait.ge [sflag:s13], $0x640  }
0x14: {  	[sflag:s13] =	ssyncset.done $0x0  }
0x15: {  	s22 =	simm.s32 $0x0;
	[sflag:s13] =	ssyncadd.s32 $0xFFFFF9C0  }
0x16: {  	[tilespmem:s15], [sflag:$0x1] =	stream.indirect.gather [hbm4b:s6+s14], $0x20, s3, s14, $0xb8;
	[tilespmem:$0x1B580] =	vst v63  }
.LBB2_2:
0x17: {  	p0 =	seq.s32 s22, $0x0;
	s24 =	smul.u32 $0xC80, s22  }
0x18: {  	s25 =	simm.s32 @!p0 $0x4  }
0x19: {  	_ =	swait.ge @!p0 [sflag:s25], $0xC800;
	s23 =	sadd.s32 s24, s9  }
0x1a: {  	[sflag:s25] =	ssyncset.done @!p0 $0x0;
	s26 =	sshrl.u32 s23, $0x3  }
0x1b: {  	s31 =	simm.s32 $0x0;
	[sflag:s25] =	ssyncadd.s32 @!p0 $0xFFFF3800;
	s30 =	sadd.s32 s5, s26  }
0x1c: {  	[tilespmem:s14], [sflag:$0x5] =	stream.linear.gather [hbm4b:s30+s31], $0x640, $0x38;
	[tilespmem:$0x1B580] =	vst v63  }
0x1d: {  	_ =	swait.ge [sflag:s13], $0x640  }
0x1e: {  	[sflag:s13] =	ssyncset.done $0x0  }
0x1f: {  	[sflag:s13] =	ssyncadd.s32 $0xFFFFF9C0  }
0x20: {  	[tilespmem:s16], [sflag:$0x2] =	stream.indirect.gather [hbm4b:s6+s14], $0x20, s14, s14, $0xb8;
	[tilespmem:$0x1B580] =	vst v63  }
0x21: {  	_ =	swait.ge [sflag:s17], $0xC800  }
0x22: {  	[sflag:s17] =	ssyncset.done $0x0  }
0x23: {  	s25 =	simm.s32 $0x0;
	[sflag:s17] =	ssyncadd.s32 $0xFFFF3800  }
0x24: {  	v1 =	vld [tilespmem:s25+$0x19C80]  }
0x25: {  	v0 =	vld [tilespmem:s25+$0x19C90]  }
0x26: {  	v2 =	vld [tilespmem:s25+$0xC80]  }
0x27: {  	v3 =	vld [tilespmem:s25+$0xC90]  }
0x28: {  	v4 =	vld [tilespmem:s25+$0x2580]  }
0x29: {  	v5 =	vld [tilespmem:s25+$0x2590]  }
0x2a: {  	v6 =	vld [tilespmem:s25+$0x3E80]  }
0x2b: {  	v7 =	vld [tilespmem:s25+$0x3E90];
	v2 =	vadd.f32 v2, v1  }
0x2c: {  	v8 =	vld [tilespmem:s25+$0x5780];
	v3 =	vadd.f32 v3, v0  }
0x2d: {  	v9 =	vld [tilespmem:s25+$0x5790];
	[tilespmem:s25+$0xC80] =	vst v2;
	v2 =	vadd.f32 v4, v1  }
0x2e: {  	v10 =	vld [tilespmem:s25+$0x7080];
	[tilespmem:s25+$0xC90] =	vst v3;
	v3 =	vadd.f32 v5, v0  }
0x2f: {  	v11 =	vld [tilespmem:s25+$0x7090];
	[tilespmem:s25+$0x2580] =	vst v2;
	v2 =	vadd.f32 v6, v1  }
0x30: {  	v4 =	vadd.f32 v7, v0;
	[tilespmem:s25+$0x2590] =	vst v3;
	v3 =	vld [tilespmem:s25+$0x8980]  }
0x31: {  	v5 =	vadd.f32 v8, v1;
	[tilespmem:s25+$0x3E80] =	vst v2;
	v2 =	vld [tilespmem:s25+$0x8990]  }
0x32: {  	[tilespmem:s25+$0x3E90] =	vst v4;
	v4 =	vld [tilespmem:s25+$0xA280];
	v6 =	vadd.f32 v9, v0  }
0x33: {  	v8 =	vadd.f32 v10, v1;
	[tilespmem:s25+$0x5780] =	vst v5;
	v5 =	vld [tilespmem:s25+$0xA290]  }
0x34: {  	s26 =	simm.s32 $0x80;
	v7 =	vadd.f32 v11, v0;
	[tilespmem:s25+$0x5790] =	vst v6;
	v6 =	vld [tilespmem:s25+$0xBB80]  }
.LBB2_3:
0x35: {  	s28 =	sshra.s32 s26, $0x2;
	p0 =	sne.s32 s26, $0x6380;
	[tilespmem:s25+$0x7080] =	vst v8;
	v3 =	vadd.f32 v3, v1;
	v8 =	vld [tilespmem:s25+$0xBB90]  }
0x36: {  	v9 =	vld [tilespmem:s28+$0x19C80];
	[tilespmem:s25+$0x7090] =	vst v7;
	v2 =	vadd.f32 v2, v0  }
0x37: {  	v7 =	vld [tilespmem:s28+$0x19C90];
	[tilespmem:s25+$0x8980] =	vst v3;
	v3 =	vadd.f32 v4, v1  }
0x38: {  	v4 =	vld [tilespmem:s28+$0xC80];
	[tilespmem:s25+$0x8990] =	vst v2;
	v2 =	vadd.f32 v5, v0  }
0x39: {  	v5 =	vld [tilespmem:s28+$0xC90];
	[tilespmem:s25+$0xA280] =	vst v3;
	v6 =	vadd.f32 v6, v1  }
0x3a: {  	v3 =	vld [tilespmem:s28+$0x2580];
	[tilespmem:s25+$0xA290] =	vst v2;
	v8 =	vadd.f32 v8, v0  }
0x3b: {  	v2 =	vld [tilespmem:s28+$0x2590];
	[tilespmem:s25+$0xBB80] =	vst v6;
	v1 =	vmov v9  }
0x3c: {  	v6 =	vld [tilespmem:s28+$0x3E80];
	[tilespmem:s25+$0xBB90] =	vst v8;
	v0 =	vmov v7;
	s25 =	smov.u32 s28  }
0x3d: {  	v4 =	vadd.f32 v4, v1;
	v7 =	vld [tilespmem:s25+$0x3E90]  }
0x3e: {  	v5 =	vadd.f32 v5, v0;
	v8 =	vld [tilespmem:s25+$0x5780]  }
0x3f: {  	[tilespmem:s25+$0xC80] =	vst v4;
	v3 =	vadd.f32 v3, v1;
	v4 =	vld [tilespmem:s25+$0x5790]  }
0x40: {  	[tilespmem:s25+$0xC90] =	vst v5;
	v2 =	vadd.f32 v2, v0;
	v5 =	vld [tilespmem:s25+$0x7080]  }
0x41: {  	[tilespmem:s25+$0x2580] =	vst v3;
	v6 =	vadd.f32 v6, v1;
	v9 =	vld [tilespmem:s25+$0x7090]  }
.Ltmp0:
0x42: {  	[tilespmem:s25+$0x2590] =	vst v2;
	v7 =	vadd.f32 v7, v0;
	v3 =	vld [tilespmem:s25+$0x8980];
	(pc) =	sbr.rel @p0 .LBB2_3-.Ltmp0, $4  }
0x43: {  	[tilespmem:s25+$0x3E80] =	vst v6;
	v6 =	vadd.f32 v8, v1;
	v2 =	vld [tilespmem:s25+$0x8990]  }
0x44: {  	[tilespmem:s25+$0x3E90] =	vst v7;
	v7 =	vadd.f32 v4, v0;
	v4 =	vld [tilespmem:s25+$0xA280]  }
0x45: {  	[tilespmem:s25+$0x5780] =	vst v6;
	v8 =	vadd.f32 v5, v1;
	v5 =	vld [tilespmem:s25+$0xA290]  }
0x46: {  	s26 =	sadd.s32 $0x80, s26;
	[tilespmem:s25+$0x5790] =	vst v7;
	v7 =	vadd.f32 v9, v0;
	v6 =	vld [tilespmem:s25+$0xBB80]  }
0x47: {  	[tilespmem:s25+$0x7080] =	vst v8;
	v3 =	vadd.f32 v3, v1;
	v8 =	vld [tilespmem:s25+$0xBB90]  }
0x48: {  	[tilespmem:s25+$0x7090] =	vst v7;
	v2 =	vadd.f32 v2, v0  }
0x49: {  	[tilespmem:s25+$0x8980] =	vst v3;
	v3 =	vadd.f32 v4, v1  }
0x4a: {  	[tilespmem:s25+$0x8990] =	vst v2;
	v2 =	vadd.f32 v5, v0  }
0x4b: {  	[tilespmem:s25+$0xA280] =	vst v3;
	v1 =	vadd.f32 v6, v1  }
0x4c: {  	s26 =	sadd.s32 s4, s24;
	[tilespmem:s25+$0xA290] =	vst v2;
	v0 =	vadd.f32 v8, v0  }
0x4d: {  	p0 =	seq.s32 s22, $0x7;
	s26 =	sshll.u32 s26, $0x2;
	[tilespmem:s25+$0xBB80] =	vst v1  }
0x4e: {  	s31 =	sadd.s32 s2, s26;
	[tilespmem:s25+$0xBB90] =	vst v0;
	s25 =	simm.s32 @!p0 $0x3  }
0x4f: {  	[hbm4b:s31+s3] =	stream.linear.scatter [tilespmem:s15], [sflag:$0x3], $0xC800, $0x38;
	[tilespmem:$0x1B580] =	vst v63  }
0x50: {  	s24 =	sadd.s32 @!p0 s24, s10;
	_ =	swait.ge @!p0 [sflag:s25], $0xC800  }
0x51: {  	s24 =	sshrl.u32 @!p0 s24, $0x3;
	[sflag:s25] =	ssyncset.done @!p0 $0x0  }
0x52: {  	s24 =	sadd.s32 @!p0 s5, s24;
	[sflag:s25] =	ssyncadd.s32 @!p0 $0xFFFF3800;
	s25 =	simm.s32 @!p0 $0x0  }
0x53: {  	[tilespmem:s25], [sflag:$0x5] =	stream.linear.gather @!p0 [hbm4b:s24+s25], $0x640, $0x38;
	[tilespmem:$0x1B580] =	vst v63  }
0x54: {  	s24 =	simm.s32 @!p0 $0x5  }
0x55: {  	_ =	swait.ge @!p0 [sflag:s24], $0x640  }
0x56: {  	[sflag:s24] =	ssyncset.done @!p0 $0x0  }
0x57: {  	s26 =	simm.s32 @!p0 $0xC80;
	[sflag:s24] =	ssyncadd.s32 @!p0 $0xFFFFF9C0;
	s24 =	simm.s32 @!p0 $0x640  }
0x58: {  	[tilespmem:s26], [sflag:$0x1] =	stream.indirect.gather @!p0 [hbm4b:s6+s24], $0x20, s25, s24, $0xb8;
	[tilespmem:$0x1B580] =	vst v63  }
0x59: {  	_ =	swait.ge [sflag:s18], $0xC800  }
0x5a: {  	[sflag:s18] =	ssyncset.done $0x0  }
0x5b: {  	s24 =	simm.s32 $0x0;
	[sflag:s18] =	ssyncadd.s32 $0xFFFF3800  }
0x5c: {  	v1 =	vld [tilespmem:s24+$0x19C80]  }
0x5d: {  	v0 =	vld [tilespmem:s24+$0x19C90]  }
0x5e: {  	v2 =	vld [tilespmem:s24+$0xD480]  }
0x5f: {  	v3 =	vld [tilespmem:s24+$0xD490]  }
0x60: {  	v4 =	vld [tilespmem:s24+$0xED80]  }
0x61: {  	v5 =	vld [tilespmem:s24+$0xED90]  }
0x62: {  	v6 =	vld [tilespmem:s24+$0x10680]  }
0x63: {  	v7 =	vld [tilespmem:s24+$0x10690];
	v2 =	vadd.f32 v2, v1  }
0x64: {  	v8 =	vld [tilespmem:s24+$0x11F80];
	v3 =	vadd.f32 v3, v0  }
0x65: {  	v9 =	vld [tilespmem:s24+$0x11F90];
	[tilespmem:s24+$0xD480] =	vst v2;
	v2 =	vadd.f32 v4, v1  }
0x66: {  	v10 =	vld [tilespmem:s24+$0x13880];
	[tilespmem:s24+$0xD490] =	vst v3;
	v3 =	vadd.f32 v5, v0  }
0x67: {  	v11 =	vld [tilespmem:s24+$0x13890];
	[tilespmem:s24+$0xED80] =	vst v2;
	v2 =	vadd.f32 v6, v1  }
0x68: {  	v4 =	vadd.f32 v7, v0;
	[tilespmem:s24+$0xED90] =	vst v3;
	v3 =	vld [tilespmem:s24+$0x15180]  }
0x69: {  	v5 =	vadd.f32 v8, v1;
	[tilespmem:s24+$0x10680] =	vst v2;
	v2 =	vld [tilespmem:s24+$0x15190]  }
0x6a: {  	[tilespmem:s24+$0x10690] =	vst v4;
	v4 =	vld [tilespmem:s24+$0x16A80];
	v6 =	vadd.f32 v9, v0  }
0x6b: {  	v8 =	vadd.f32 v10, v1;
	[tilespmem:s24+$0x11F80] =	vst v5;
	v5 =	vld [tilespmem:s24+$0x16A90]  }
0x6c: {  	s25 =	simm.s32 $0x80;
	v7 =	vadd.f32 v11, v0;
	[tilespmem:s24+$0x11F90] =	vst v6;
	v6 =	vld [tilespmem:s24+$0x18380]  }
.LBB2_5:
0x6d: {  	s26 =	sshra.s32 s25, $0x2;
	p0 =	sne.s32 s25, $0x6380;
	[tilespmem:s24+$0x13880] =	vst v8;
	v3 =	vadd.f32 v3, v1;
	v8 =	vld [tilespmem:s24+$0x18390]  }
0x6e: {  	v9 =	vld [tilespmem:s26+$0x19C80];
	[tilespmem:s24+$0x13890] =	vst v7;
	v2 =	vadd.f32 v2, v0  }
0x6f: {  	v7 =	vld [tilespmem:s26+$0x19C90];
	[tilespmem:s24+$0x15180] =	vst v3;
	v3 =	vadd.f32 v4, v1  }
0x70: {  	v4 =	vld [tilespmem:s26+$0xD480];
	[tilespmem:s24+$0x15190] =	vst v2;
	v2 =	vadd.f32 v5, v0  }
0x71: {  	v5 =	vld [tilespmem:s26+$0xD490];
	[tilespmem:s24+$0x16A80] =	vst v3;
	v6 =	vadd.f32 v6, v1  }
0x72: {  	v3 =	vld [tilespmem:s26+$0xED80];
	[tilespmem:s24+$0x16A90] =	vst v2;
	v8 =	vadd.f32 v8, v0  }
0x73: {  	v2 =	vld [tilespmem:s26+$0xED90];
	[tilespmem:s24+$0x18380] =	vst v6;
	v1 =	vmov v9  }
0x74: {  	v6 =	vld [tilespmem:s26+$0x10680];
	[tilespmem:s24+$0x18390] =	vst v8;
	v0 =	vmov v7;
	s24 =	smov.u32 s26  }
0x75: {  	v4 =	vadd.f32 v4, v1;
	v7 =	vld [tilespmem:s24+$0x10690]  }
0x76: {  	v5 =	vadd.f32 v5, v0;
	v8 =	vld [tilespmem:s24+$0x11F80]  }
0x77: {  	[tilespmem:s24+$0xD480] =	vst v4;
	v3 =	vadd.f32 v3, v1;
	v4 =	vld [tilespmem:s24+$0x11F90]  }
0x78: {  	[tilespmem:s24+$0xD490] =	vst v5;
	v2 =	vadd.f32 v2, v0;
	v5 =	vld [tilespmem:s24+$0x13880]  }
0x79: {  	[tilespmem:s24+$0xED80] =	vst v3;
	v6 =	vadd.f32 v6, v1;
	v9 =	vld [tilespmem:s24+$0x13890]  }
.Ltmp1:
0x7a: {  	[tilespmem:s24+$0xED90] =	vst v2;
	v7 =	vadd.f32 v7, v0;
	v3 =	vld [tilespmem:s24+$0x15180];
	(pc) =	sbr.rel @p0 .LBB2_5-.Ltmp1, $4  }
0x7b: {  	[tilespmem:s24+$0x10680] =	vst v6;
	v6 =	vadd.f32 v8, v1;
	v2 =	vld [tilespmem:s24+$0x15190]  }
0x7c: {  	[tilespmem:s24+$0x10690] =	vst v7;
	v7 =	vadd.f32 v4, v0;
	v4 =	vld [tilespmem:s24+$0x16A80]  }
0x7d: {  	[tilespmem:s24+$0x11F80] =	vst v6;
	v8 =	vadd.f32 v5, v1;
	v5 =	vld [tilespmem:s24+$0x16A90]  }
0x7e: {  	s25 =	sadd.s32 $0x80, s25;
	[tilespmem:s24+$0x11F90] =	vst v7;
	v7 =	vadd.f32 v9, v0;
	v6 =	vld [tilespmem:s24+$0x18380]  }
0x7f: {  	[tilespmem:s24+$0x13880] =	vst v8;
	v3 =	vadd.f32 v3, v1;
	v59 =	vld [tilespmem:s24+$0x18390]  }
0x80: {  	[tilespmem:s24+$0x13890] =	vst v7;
	v2 =	vadd.f32 v2, v0  }
0x81: {  	s22 =	sadd.s32 $0x1, s22;
	[tilespmem:s24+$0x15180] =	vst v3;
	v60 =	vadd.f32 v4, v1  }
0x82: {  	p0 =	sne.s32 s22, $0x8;
	[tilespmem:s24+$0x15190] =	vst v2;
	v61 =	vadd.f32 v5, v0  }
.Ltmp2:
0x83: {  	[tilespmem:s24+$0x16A80] =	vst v60;
	v62 =	vadd.f32 v6, v1;
	(pc) =	sbr.rel @p0 .LBB2_2-.Ltmp2, $4  }
0x84: {  	s23 =	sshll.u32 s23, $0x2;
	[tilespmem:s24+$0x16A90] =	vst v61;
	v63 =	vadd.f32 v59, v0  }
0x85: {  	s23 =	sand.u32 $0x1FFFFF00, s23;
	[tilespmem:s24+$0x18380] =	vst v62  }
0x86: {  	s23 =	sadd.s32 s2, s23;
	[tilespmem:s24+$0x18390] =	vst v63  }
0x87: {  	[hbm4b:s23+s3] =	stream.linear.scatter [tilespmem:s16], [sflag:$0x4], $0xC800, $0x38;
	[tilespmem:$0x1B580] =	vst v63  }
0x88: {  	s21 =	sadd.s32 $0x1, s21  }
0x89: {  	_ =	swait.ge [sflag:s19], $0xC800;
	p0 =	sne.s32 s21, s11  }
.Ltmp3:
0x8a: {  	[sflag:s19] =	ssyncset.done $0x0;
	(pc) =	sbr.rel @p0 .LBB2_1-.Ltmp3, $4  }
0x8b: {  	[sflag:s19] =	ssyncadd.s32 $0xFFFF3800  }
0x8c: {  	_ =	swait.ge [sflag:s20], $0xC800  }
0x8d: {  	[sflag:s20] =	ssyncset.done $0x0  }
0x8e: {  	[sflag:s20] =	ssyncadd.s32 $0xFFFF3800  }
0x8f: {  	_ =	sfence.sel $0x180000  }
0x90: {  	[bflag:$0x0] =	sbarrier.arrive $0xFFFF  }
0x91: {  	p0 =	sne.s32 s1, $0x0;
	_ =	strace $0x90000047  }
0x92: {  	s0 =	sadd.s32 @!p0 $0x100000, s0;
	[bflag:$0x2] =	sbarrier.arrive $0xFFFF  }
0x93: {  	[sflag:s0] =	ssyncadd.tile.s32 @!p0 $0x1;
	_ =	shalt  }
.Lfunc_end2:
_tile_overlayer_lowered:
.L_overlay_start_2:
0x94: {  	(tag) =	ssettag $0x2  }
0x95: {  	s0 =	rddreg [dreg:$0x0];
	s2 =	stileid.u32  }
0x96: {  	s1 =	rddreg [dreg:$0x1];
	p0 =	sne.s32 s2, $0x0  }
0x97: {  	s3 =	rddreg [dreg:$0x2];
	[bflag:$0x3] =	sbarrier.arrive $0xFFFF;
	s2 =	simm.s32 @!p0 $0x1C05  }
0x98: {  	[timem:s3], [sflag:s2] =	dma.local @!p0 [hbm:s0], s1  }
0x99: {  	s0 =	simm.s32 @!p0 $0x5  }
0x9a: {  	_ =	swait.ge @!p0 [sflag:s0], s1  }
0x9b: {  	s1 =	ssub.s32 @!p0 $0x0, s1;
	[sflag:s0] =	ssyncset.done @!p0 $0x0  }
0x9c: {  	[sflag:s0] =	ssyncadd.s32 @!p0 s1  }
0x9d: {  	[bflag:$0x3] =	sbarrier.arrive $0xFFFF  }
0x9e: {  	_ =	shalt  }

// kernel: sparse-core-data-format-call.cloned.1.call-start
scs
called_computation_lowered:
.L_overlay_start_0:
0x0: {  	s2 =	sld [smem:$0x3FD9]  }
0x1: {  	s3 =	sld [smem:$0x3FFE];
	_ =	sdelay $0x1  }
0x2: {  	s1 =	srdreg.scid  }
0x3: {  	s0 =	sand.u32 $0x1, s1  }
0x4: {  	s18 =	sshll.u32 s0, $0xA;
	s2 =	sadd.s32 s3, s2  }
0x5: {  	s2 =	sadd.s32 s2, s18  }
0x6: {  	[smem:$0x3FC5] =	sst s2  }
0x7: {  	_ = 	snop  }
0x8: {  	s2 =	sld [smem:$0x3FD0];
	(tm) =	ssettm $0x1  }
0x9: {  	s19 =	sld [smem:$0x3FFB];
	_ =	sdelay $0x3  }
0xa: {  	_ =	strace s19  }
0xb: {  	s3 =	sld [smem:$0x3FFC];
	_ =	sdelay $0x3  }
0xc: {  	_ =	strace s3  }
0xd: {  	s3 =	sld [smem:$0x3FFD];
	_ =	sdelay $0x3  }
0xe: {  	_ =	strace s3  }
0xf: {  	_ =	strace $0x8FFFFFFF  }
0x10: {  	s20 =	sld [smem:$0x3FDB];
	_ =	sdelay $0x1  }
0x11: {  	s4 =	simm.s32 $_scs_section_size  }
0x12: {  	s5 =	simm.s32 $_size__tile_overlayer_lowered;
	s6 =	simm.s32 $_tile_overlayer_lowered  }
0x13: {  	s23 =	simm.s32 $0x1BFF;
	s22 =	sshll.u32 s6, $0x1;
	s3 =	sadd.s32 s4, s20  }
0x14: {  	s7 =	simm.s32 $0x0;
	s21 =	sshll.u32 s5, $0x1;
	s5 =	sadd.s32 s22, s3  }
0x15: {  	[timem:s7], [sflag:s23] =	dma.local [hbm:s5], s21  }
0x16: {  	_ =	swait.ge [sflag:s23], s21  }
0x17: {  	s4 =	ssub.s32 $0x0, s21;
	[sflag:s23] =	ssyncset.done $0x0  }
0x18: {  	[sflag:s23] =	ssyncadd.s32 s4;
	_ =	sdelay $0x1  }
0x19: {  	s24 =	simm.s32 $0x1B8B  }
0x1a: {  	_ =	swait.ge [sflag:s24], $0x1  }
0x1b: {  	[sflag:s24] =	ssyncset.done $0x0  }
0x1c: {  	s26 =	simm.s32 $0x1B8E;
	s25 =	sld [smem:$0x3FFE];
	[sflag:s24] =	ssyncadd.s32 $0xFFFFFFFF  }
0x1d: {  	s27 =	simm.s32 $execute0_lowered;
	[smem:$0x3FD2] =	sst s26  }
0x1e: {  	s5 =	sshll.u32 s27, $0x1;
	_ =	strace $0x80000049;
	[dreg:$0x1] =	wrdreg $0xFFFFFFFF  }
0x1f: {  	s28 =	simm.s32 $_size_execute0_lowered;
	s3 =	sadd.s32 s3, s5;
	[dreg:$0x0] =	wrdreg $0x0  }
0x20: {  	s5 =	sshll.u32 s28, $0x1;
	[dreg:$0x2] =	wrdreg s3  }
0x21: {  	[dreg:$0x3] =	wrdreg s5  }
0x22: {  	[dreg:$0x4] =	wrdreg $0xC0  }
0x23: {  	_ =	task [dreg:s7], $0x5FFFF  }
0x24: {  	[dreg:$0x1] =	wrdreg $0xFFFFFFFF  }
0x25: {  	[dreg:$0x0] =	wrdreg $0x60  }
0x26: {  	[dreg:$0x2] =	wrdreg s25  }
0x27: {  	[dreg:$0x3] =	wrdreg s2  }
0x28: {  	[dreg:$0x4] =	wrdreg $0x9  }
0x29: {  	_ =	task.clear_ibuf [dreg:s7], $0x5FFFF;
	_ =	strace $0x90000049  }
0x2a: {  	s29 =	simm.s32 $0x9;
	_ =	strace $0x8000004B  }
0x2b: {  	_ =	swait.ge [sflag:s29], $0x1  }
0x2c: {  	[sflag:s29] =	ssyncadd.s32 $0xFFFFFFFF  }
0x2d: {  	_ =	strace $0x9000004B  }
0x2e: {  	_ =	sfence  }
0x2f: {  	s30 =	sld [smem:$0x0];
	_ =	sdelay $0x2  }
0x30: {  	s31 =	sshll.u32 s1, $0xD;
	s1 =	sshrl.u32 s1, $0x2  }
0x31: {  	s3 =	sand.u32 $0x4000, s31;
	s1 =	sadd.s32 s1, s30  }
0x32: {  	s0 =	sor.u32 s3, s0;
	s1 =	sshll.u32 s1, $0x11  }
0x33: {  	s0 =	sor.u32 s1, s0  }
0x34: {  	s0 =	sadd.s32 $0x8F2B, s0  }
0x35: {  	[sflag:s0] =	ssyncadd.remote.s32 $0x1  }
0x36: {  	_ =	sfence.sel $0xFFFF  }
0x37: {  	[dreg:$0x0] =	wrdreg $0xFFFFFFFF;
	(pc) =	sbr.abs _section_cstart, $3  }
0x38: {  	[dreg:$0x1] =	wrdreg $0xFFFFFFFF  }
0x39: {  	_ =	task.clear_ibuf [dreg:s7], $0x2FFFF;
	_ =	strace $0x9FFFFFFF  }
0x3a: {  	(tm) =	ssettm $0x7FFFFFFF  }
0x3b: {  	_ =	shalt  }
tec
execute0_lowered:
.L_overlay_start_1:
0x0: {  	(tag) =	ssettag $0x1  }
0x1: {  	s0 =	srdreg.scid  }
0x2: {  	s1 =	sshll.u32 s0, $0x4  }
0x3: {  	s0 =	stileid.u32;
	s1 =	sand.u32 $0x10, s1  }
0x4: {  	s1 =	sor.u32 s0, s1  }
0x5: {  	s6 =	rddreg [dreg:$0x0];
	s4 =	simm.s32 $0x1;
	s2 =	sshll.u32 s1, $0x7  }
0x6: {  	s7 =	simm.s32 $0x2;
	s12 =	simm.s32 $0x0;
	s1 =	ssub.s32 $0x1000, s2  }
0x7: {  	s8 =	simm.s32 $0x8000;
	s13 =	simm.s32 $0x0;
	s3 =	sand.u32 $0xF80, s1  }
0x8: {  	s9 =	simm.s32 $0x0;
	s5 =	sshrl.u32 s1, $0xC;
	p0 =	sne.s32 s3, $0x0  }
.Ltmp0:
0x9: {  	s1 =	rddreg [dreg:$0x2];
	s4 =	simm.s32 @!p0 $0x0;
	(pc) =	sbr.rel .LBB1_1-.Ltmp0, $4  }
0xa: {  	s11 =	simm.s32 $0x0;
	s3 =	rddreg [dreg:$0x1];
	s5 =	sadd.s32 s4, s5  }
0xb: {  	_ =	strace $0x8000004A;
	s4 =	simm.s32 $0x1;
	s5 =	smul.u32 $0xC8, s5  }
0xc: {  	s6 =	sadd.s32 $0xA00, s6;
	s10 =	smov.u32 s2;
	[sflag:s4] =	ssyncpa.u1 $0x0  }
0xd: {  	p0 =	por $0x0, $0x0;
	[sflag:s7] =	ssyncpa.u1 $0x0;
	s7 =	sor.u32 $0x1, s5  }
.LBB1_4:
0xe: {  	s16 =	sshll.u32 s13, $0x3;
	s17 =	sand.u32 $0x78, s13  }
0xf: {  	s30 =	sand.u32 $0x3E00, s13;
	s12 =	sshll.u32 s12, $0xE;
	s16 =	sand.u32 $0xC00, s16  }
0x10: {  	s31 =	sand.u32 $0x7, s13;
	s16 =	sor.u32 s17, s16;
	s17 =	sadd.s32 s3, s30  }
0x11: {  	s13 =	sshll.u32 s31, $0x12;
	s16 =	sshrl.u32 s16, $0x3;
	s12 =	sadd.s32 s12, s17  }
0x12: {  	[tilespmem:s15+$0x0 ss:$0x81] =	vst.msk $0xffff, v0;
	s13 =	sor.u32 $0x400, s13;
	s12 =	sadd.s32 s16, s12  }
0x13: {  	[hbm4b:s12+s13] =	stream.strided.scatter [tilespmem:s14], [sflag:$0x2], $0x1000, s8, s13, $0x20;
	[tilespmem:$0x4040] =	vst v63  }
.LBB1_5:
0x14: {  	s14 =	sadd.s32 $0x1, s9  }
0x15: {  	s12 =	sadd.s32 $0x1000, s10;
	s16 =	smov.u32 s10;
	p2 =	sgt.s32 s14, $0xC7  }
0x16: {  	s16 =	smov.u32 @p2 s12  }
0x17: {  	s14 =	simm.s32 @p2 $0x0;
	p2 =	sgt.s32 s16, $0xFFF  }
0x18: {  	s16 =	smov.u32 @p2 s2;
	p2 =	sne.s32 s11, s7  }
.Ltmp1:
0x19: {  	p1 =	slt.u32 s11, $0x2;
	(pc) =	sbr.rel @!p2 .LBB1_6-.Ltmp1, $4  }
0x1a: {  	s15 =	simm.s32 @!p1 $0x2  }
0x1b: {  	s13 =	smov.u32 s10;
	p0 =	por !p0, !p0;
	_ =	swait.ge @!p1 [sflag:s15], $0x1000  }
0x1c: {  	s12 =	smov.u32 s9;
	[sflag:s15] =	ssyncset.done @!p1 $0x0;
	s9 =	smov.u32 s14  }
0x1d: {  	s11 =	sadd.s32 $0x1, s11;
	[sflag:s15] =	ssyncadd.s32 @!p1 $0xFFFFF000;
	s10 =	smov.u32 s16  }
.LBB1_1:
0x1e: {  	p1 =	sge.u32 s11, s5  }
0x1f: {  	s14 =	sand.u32 @!p1 $0x1FFFFFF, s9  }
0x20: {  	s15 =	smulhi.u32 @!p1 $0x147AE15, s14;
	_ =	sdelay $0x1  }
0x21: {  	s15 =	smul.u32 @!p1 $0xC8, s15  }
0x22: {  	s16 =	sxor.u32 @!p1 $0xFFFFFFFF, s11;
	s17 =	smul.u32 @!p1 $0xC80, s10  }
0x23: {  	s31 =	sadd.s32 $0xFFFFFFFF, s11;
	s16 =	sshll.u32 @!p1 s16, $0xC;
	s14 =	ssub.s32 @!p1 s14, s15  }
0x24: {  	s15 =	sand.u32 @!p1 $0x1000, s16;
	s16 =	sadd.s32 @!p1 s6, s17;
	s14 =	sshll.u32 @!p1 s14, $0x4  }
0x25: {  	s17 =	simm.s32 @!p1 $0x6400;
	s14 =	sadd.s32 @!p1 s14, s16;
	s16 =	simm.s32 @!p1 $0x20  }
0x26: {  	[tilespmem:s15], [sflag:$0x1] =	stream.strided.gather @!p1 [hbm4b:s14+s16], $0x1000, s17, s16, $0x38;
	[tilespmem:$0x4040] =	vst v63  }
0x27: {  	p1 =	sge.u32 s31, s5  }
.Ltmp2:
0x28: {  	_ = 	snop;
	(pc) =	sbr.rel @p1 .LBB1_5-.Ltmp2, $1  }
0x29: {  	_ =	sdelay $0x3  }
0x2a: {  	s14 =	simm.s32 $0x1  }
0x2b: {  	_ =	swait.ge [sflag:s4], $0x1000;
	s14 =	simm.s32 @!p0 $0x0  }
0x2c: {  	[sflag:s4] =	ssyncset.done $0x0;
	s15 =	sshll.u32 s14, $0xC  }
0x2d: {  	[sflag:s4] =	ssyncadd.s32 $0xFFFFF000;
	s18 =	sor.u32 $0x10, s15  }
0x2e: {  	s14 =	smul.u32 $0x4080, s14;
	v1 =	vld [tilespmem:s18+$0x0]  }
0x2f: {  	s30 =	sand.u32 $0x1, s11;
	v0 =	vld [tilespmem:s18+$0xFFFFFFF0]  }
0x30: {  	s15 =	smul.u32 $0x4080, s30;
	s14 =	sshrl.u32 s14, $0x2  }
0x31: {  	s16 =	sor.u32 $0x2000, s14  }
0x32: {  	s31 =	sshrl.u32 s15, $0x2;
	s15 =	sadd.s32 $0x0, s16  }
0x33: {  	s17 =	simm.s32 $0x4;
	s18 =	sadd.s32 $0x20, s18;
	s14 =	sor.u32 $0x2000, s31;
	[tilespmem:s15+$0x810 ss:$0x81] =	vst.msk $0xffff, v1  }
.LBB1_3:
0x34: {  	v1 =	vld [tilespmem:s18+$0x0];
	p1 =	sne.s32 s17, $0x1FC;
	[tilespmem:s15+$0x0 ss:$0x81] =	vst.msk $0xffff, v0;
	s15 =	smov.u32 s17;
	s17 =	sadd.s32 $0x4, s17  }
.Ltmp3:
0x35: {  	v0 =	vld [tilespmem:s18+$0xFFFFFFF0];
	(pc) =	sbr.rel @p1 .LBB1_3-.Ltmp3, $4  }
0x36: {  	_ = 	snop  }
0x37: {  	s15 =	sshra.s32 s15, $0x2  }
0x38: {  	s15 =	sadd.s32 s15, s16  }
0x39: {  	s18 =	sadd.s32 $0x20, s18;
	[tilespmem:s15+$0x810 ss:$0x81] =	vst.msk $0xffff, v1  }
.Ltmp4:
0x3a: {  	_ = 	snop;
	(pc) =	sbr.rel .LBB1_4-.Ltmp4, $1  }
0x3b: {  	_ =	sdelay $0x3  }
.LBB1_6:
0x3c: {  	_ =	sfence.sel $0x180000  }
0x3d: {  	s2 =	simm.s32 $0x1;
	[bflag:$0x0] =	sbarrier.arrive $0xFFFF  }
0x3e: {  	s31 =	simm.s32 $0x2;
	[sflag:s2] =	ssyncpa.u1 $0x1  }
0x3f: {  	[sflag:s31] =	ssyncpa.u1 $0x1  }
0x40: {  	p0 =	sne.s32 s0, $0x0;
	_ =	strace $0x9000004A  }
0x41: {  	s0 =	sadd.s32 @!p0 $0x100000, s1;
	[bflag:$0x2] =	sbarrier.arrive $0xFFFF  }
0x42: {  	[sflag:s0] =	ssyncadd.tile.s32 @!p0 $0x1;
	_ =	shalt  }
.Lfunc_end1:
_tile_overlayer_lowered:
.L_overlay_start_2:
0x43: {  	(tag) =	ssettag $0x2  }
0x44: {  	s0 =	rddreg [dreg:$0x0];
	s2 =	stileid.u32  }
0x45: {  	s1 =	rddreg [dreg:$0x1];
	p0 =	sne.s32 s2, $0x0  }
0x46: {  	s3 =	rddreg [dreg:$0x2];
	[bflag:$0x3] =	sbarrier.arrive $0xFFFF;
	s2 =	simm.s32 @!p0 $0x1C01  }
0x47: {  	[timem:s3], [sflag:s2] =	dma.local @!p0 [hbm:s0], s1  }
0x48: {  	s0 =	simm.s32 @!p0 $0x1  }
0x49: {  	_ =	swait.ge @!p0 [sflag:s0], s1  }
0x4a: {  	s1 =	ssub.s32 @!p0 $0x0, s1;
	[sflag:s0] =	ssyncset.done @!p0 $0x0  }
0x4b: {  	[sflag:s0] =	ssyncadd.s32 @!p0 s1  }
0x4c: {  	[bflag:$0x3] =	sbarrier.arrive $0xFFFF  }
0x4d: {  	_ =	shalt  }

</sc_bundles>
